<compile_context>
chip_gen: v7x
topology: tpu7x:2x2x1
jax: 0.10.2.dev20260603
libtpu: 0.0.44.dev20260713+nightly
codegen_flags: <defaults>
</compile_context>

<pallas_src>
import functools

import jax
import jax.numpy as jnp
from jax import lax
from jax.experimental import pallas as pl
from jax.experimental.pallas import tpu as pltpu
from jax.experimental.pallas import tpu_sc as plsc

_NC = 2
_NS = 16
_NW = _NC * _NS

_CHUNK = 16
_NBUF = 4


def kernel(position_ids, table):
    B, S = position_ids.shape
    V, H = table.shape
    n_blk = _NW // B
    s_per_w = S // n_blk
    assert S % n_blk == 0
    assert s_per_w % (_CHUNK * _NBUF) == 0
    n_chunks = s_per_w // _CHUNK
    n_groups = n_chunks // _NBUF

    idx = position_ids.astype(jnp.int32).reshape(B, n_blk, n_chunks, _CHUNK)

    mesh = plsc.VectorSubcoreMesh(
        core_axis_name="c", subcore_axis_name="s",
        num_cores=_NC, num_subcores=_NS)

    @functools.partial(
        pl.kernel,
        out_type=jax.ShapeDtypeStruct((S, B, H), jnp.float32),
        mesh=mesh,
        scratch_types=[
            pltpu.VMEM((n_chunks, _CHUNK), jnp.int32),
            pltpu.VMEM((_NBUF, _CHUNK, H), jnp.float32),
        ] + [pltpu.SemaphoreType.DMA] * (2 * _NBUF),
    )
    def _emb(table_hbm, idx_hbm, out_hbm, idx_v, rows_v, *sems):
        gsem = sems[:_NBUF]
        osem = sems[_NBUF:]
        wid = lax.axis_index("s") * _NC + lax.axis_index("c")
        b = wid % B
        blk = wid // B
        s_base = blk * s_per_w
        pltpu.sync_copy(idx_hbm.at[b, blk], idx_v)

        def start_g(j, buf):
            pltpu.async_copy(
                table_hbm.at[idx_v.at[j]], rows_v.at[buf], gsem[buf])

        def wait_g(buf):
            pltpu.make_async_copy(
                table_hbm.at[idx_v.at[0]], rows_v.at[buf], gsem[buf]).wait()

        def start_o(j, buf):
            pltpu.async_copy(
                rows_v.at[buf],
                out_hbm.at[pl.ds(s_base + j * _CHUNK, _CHUNK), b], osem[buf])

        def wait_o(buf):
            pltpu.make_async_copy(
                rows_v.at[buf],
                out_hbm.at[pl.ds(s_base, _CHUNK), b], osem[buf]).wait()

        for buf in range(_NBUF):
            start_g(buf, buf)

        def group(g, carry):
            j0 = g * _NBUF
            for buf in range(_NBUF):
                wait_g(buf)
                start_o(j0 + buf, buf)
            for buf in range(_NBUF):
                wait_o(buf)
                start_g(j0 + buf + _NBUF, buf)
            return carry

        lax.fori_loop(0, n_groups - 1, group, 0)

        j0 = (n_groups - 1) * _NBUF
        for buf in range(_NBUF):
            wait_g(buf)
            start_o(j0 + buf, buf)
        for buf in range(_NBUF):
            wait_o(buf)

    return _emb(table, idx)

# --- scband reference (transcript-rebuilt; emitter-appended) ---
"""Pipeline reference for scband-positional-embedding-74646531604980 (READ-ONLY COPY).

The authoritative reference and input builder live on the scoring server;
editing this copy changes nothing except your own understanding.
"""

import jax, jax.numpy as jnp
import numpy as np

HIDDEN_SIZE = 1024
MAX_POS = 8192
BATCH = 4
SEQ_LEN = 8192

def setup_inputs(seed: int = 0) -> dict:
    key = jax.random.key(seed)
    k_ids, k_tab = jax.random.split(key)
    position_ids = jax.random.randint(k_ids, (BATCH, SEQ_LEN), 0, MAX_POS, dtype=jnp.int64 if jax.config.jax_enable_x64 else jnp.int32)
    table = jax.random.normal(k_tab, (MAX_POS, HIDDEN_SIZE), dtype=jnp.float32) * 0.02
    return {"position_ids": position_ids, "table": table}

def reference(position_ids, table):
    # nn.Embedding lookup: gather rows of the table by position id
    emb = jnp.take(table, position_ids, axis=0)  # [B, S, H]
    # .transpose(0, 1) in torch swaps the first two dims
    return jnp.swapaxes(emb, 0, 1)  # [S, B, H]

if __name__ == "__main__":
    import jax
    _d = setup_inputs()
    print(jax.jit(kernel)(*tuple(_d.values())))

</pallas_src>

<mosaic_0001>
#map = affine_map<(d0, d1) -> (0, 0)>
#map1 = affine_map<(d0, d1) -> (0, 0, 0, 0)>
#map2 = affine_map<(d0, d1) -> (0, 0, 0)>
module attributes {stable_mosaic.version = 14 : i64} {
  func.func @_emb(%arg0: i32, %arg1: i32, %arg2: memref<8192x1024xf32, #tpu.memory_space<hbm>>, %arg3: memref<4x8x64x16xi32, #tpu.memory_space<hbm>>, %arg4: memref<8192x4x1024xf32, #tpu.memory_space<hbm>>, %arg5: memref<64x16xi32, #tpu.memory_space<vmem>>, %arg6: memref<4x16x1024xf32, #tpu.memory_space<vmem>>, %arg7: memref<!tpu.dma_semaphore, #tpu.memory_space<semaphore_mem>>, %arg8: memref<!tpu.dma_semaphore, #tpu.memory_space<semaphore_mem>>, %arg9: memref<!tpu.dma_semaphore, #tpu.memory_space<semaphore_mem>>, %arg10: memref<!tpu.dma_semaphore, #tpu.memory_space<semaphore_mem>>, %arg11: memref<!tpu.dma_semaphore, #tpu.memory_space<semaphore_mem>>, %arg12: memref<!tpu.dma_semaphore, #tpu.memory_space<semaphore_mem>>, %arg13: memref<!tpu.dma_semaphore, #tpu.memory_space<semaphore_mem>>, %arg14: memref<!tpu.dma_semaphore, #tpu.memory_space<semaphore_mem>>) attributes {dimension_semantics = [#tpu.dimension_semantics<core_parallel>, #tpu.dimension_semantics<subcore_parallel>], iteration_bounds = array<i64: 2, 16>, scalar_prefetch = 0 : i64, scratch_operands = 10 : i64, tpu.core_type = #tpu.core_type<sc_vector_subcore>, window_params = [{transform_indices = #map}, {transform_indices = #map1}, {transform_indices = #map2}]} {
    %mul3A = arith.constant 2 : i32
    %mul3A_0 = arith.muli %arg1, %mul3A : i32
    %add3A = arith.addi %mul3A_0, %arg0 : i32
    %jit3A = arith.constant 4 : i32
    %eq3A = arith.constant 0 : i32
    %eq3A_1 = arith.cmpi eq, %jit3A, %eq3A : i32
    %jit3A_2 = arith.constant 1 : i32
    %select_n3A = arith.select %eq3A_1, %jit3A_2, %jit3A : i32
    %rem3A = arith.remsi %add3A, %select_n3A : i32
    %ne3A = arith.constant 0 : i32
    %ne3A_3 = arith.cmpi ne, %rem3A, %ne3A : i32
    %lt3A = arith.constant 0 : i32
    %lt3A_4 = arith.cmpi slt, %rem3A, %lt3A : i32
    %lt3A_5 = arith.constant 0 : i32
    %lt3A_6 = arith.cmpi slt, %select_n3A, %lt3A_5 : i32
    %ne3A_7 = arith.xori %lt3A_4, %lt3A_6 : i1
    %and3A = arith.andi %ne3A_7, %ne3A_3 : i1
    %add3A_8 = arith.addi %rem3A, %select_n3A : i32
    %select_n3A_9 = arith.select %and3A, %add3A_8, %rem3A : i32
    %jit3A_10 = arith.constant 4 : i32
    %div3A = arith.divsi %add3A, %jit3A_10 : i32
    %sign3A = arith.constant 0 : i32
    %sign3A_11 = arith.cmpi sgt, %add3A, %sign3A : i32
    %sign3A_12 = arith.extui %sign3A_11 : i1 to i32
    %sign3A_13 = arith.constant 0 : i32
    %sign3A_14 = arith.cmpi slt, %add3A, %sign3A_13 : i32
    %sign3A_15 = arith.extui %sign3A_14 : i1 to i32
    %sign3A_16 = arith.subi %sign3A_12, %sign3A_15 : i32
    %sign3A_17 = arith.constant 0 : i32
    %sign3A_18 = arith.cmpi sgt, %jit3A_10, %sign3A_17 : i32
    %sign3A_19 = arith.extui %sign3A_18 : i1 to i32
    %sign3A_20 = arith.constant 0 : i32
    %sign3A_21 = arith.cmpi slt, %jit3A_10, %sign3A_20 : i32
    %sign3A_22 = arith.extui %sign3A_21 : i1 to i32
    %sign3A_23 = arith.subi %sign3A_19, %sign3A_22 : i32
    %ne3A_24 = arith.cmpi ne, %sign3A_16, %sign3A_23 : i32
    %rem3A_25 = arith.remsi %add3A, %jit3A_10 : i32
    %ne3A_26 = arith.constant 0 : i32
    %ne3A_27 = arith.cmpi ne, %rem3A_25, %ne3A_26 : i32
    %and3A_28 = arith.andi %ne3A_24, %ne3A_27 : i1
    %sub3A = arith.constant 1 : i32
    %sub3A_29 = arith.subi %div3A, %sub3A : i32
    %select_n3A_30 = arith.select %and3A_28, %sub3A_29, %div3A : i32
    %mul3A_31 = arith.constant 1024 : i32
    %mul3A_32 = arith.muli %select_n3A_30, %mul3A_31 : i32
    "tpu.region"() ({
      %run_scoped3A = tpu.sem_alloc : memref<!tpu.dma_semaphore, #tpu.memory_space<semaphore_mem>>
      %dma_start3A_260 = arith.constant 0 : i32
      %dma_start3A_261 = arith.constant 0 : i32
      %dma_start3A_262 = tpu.memref_slice %arg3[%select_n3A_9, %select_n3A_30, %dma_start3A_260, %dma_start3A_261] : memref<4x8x64x16xi32, #tpu.memory_space<hbm>> -> memref<1x1x64x16xi32, #tpu.memory_space<hbm>>
      %dma_start3A_263 = tpu.memref_squeeze %dma_start3A_262 : memref<1x1x64x16xi32, #tpu.memory_space<hbm>> -> memref<64x16xi32, #tpu.memory_space<hbm>>
      %dma_start3A_264 = arith.constant 0 : i32
      %dma_start3A_265 = arith.constant 0 : i32
      %dma_start3A_266 = tpu.memref_slice %arg3[%select_n3A_9, %select_n3A_30, %dma_start3A_264, %dma_start3A_265] : memref<4x8x64x16xi32, #tpu.memory_space<hbm>> -> memref<1x1x64x16xi32, #tpu.memory_space<hbm>>
      %dma_start3A_267 = tpu.memref_squeeze %dma_start3A_266 : memref<1x1x64x16xi32, #tpu.memory_space<hbm>> -> memref<64x16xi32, #tpu.memory_space<hbm>>
      tpu.enqueue_dma source(%dma_start3A_267 : memref<64x16xi32, #tpu.memory_space<hbm>>) target(%arg5 : memref<64x16xi32, #tpu.memory_space<vmem>>) target_semaphore(%run_scoped3A : memref<!tpu.dma_semaphore, #tpu.memory_space<semaphore_mem>>)
      %dma_wait3A_268 = arith.constant 0 : i32
      %dma_wait3A_269 = arith.constant 0 : i32
      %dma_wait3A_270 = tpu.memref_slice %arg3[%select_n3A_9, %select_n3A_30, %dma_wait3A_268, %dma_wait3A_269] : memref<4x8x64x16xi32, #tpu.memory_space<hbm>> -> memref<1x1x64x16xi32, #tpu.memory_space<hbm>>
      %dma_wait3A_271 = tpu.memref_squeeze %dma_wait3A_270 : memref<1x1x64x16xi32, #tpu.memory_space<hbm>> -> memref<64x16xi32, #tpu.memory_space<hbm>>
      %dma_wait3A_272 = arith.constant 0 : i32
      %dma_wait3A_273 = arith.constant 0 : i32
      %dma_wait3A_274 = tpu.memref_slice %arg3[%select_n3A_9, %select_n3A_30, %dma_wait3A_272, %dma_wait3A_273] : memref<4x8x64x16xi32, #tpu.memory_space<hbm>> -> memref<1x1x64x16xi32, #tpu.memory_space<hbm>>
      %dma_wait3A_275 = tpu.memref_squeeze %dma_wait3A_274 : memref<1x1x64x16xi32, #tpu.memory_space<hbm>> -> memref<64x16xi32, #tpu.memory_space<hbm>>
      tpu.wait_dma2 semaphore(%run_scoped3A : memref<!tpu.dma_semaphore, #tpu.memory_space<semaphore_mem>>) src(%dma_wait3A_275 : memref<64x16xi32, #tpu.memory_space<hbm>>) dst(%arg5 : memref<64x16xi32, #tpu.memory_space<vmem>>)
      tpu.yield
    }) : () -> ()
    %dma_start3A = arith.constant 0 : i32
    %dma_start3A_33 = arith.constant 0 : i32
    %dma_start3A_34 = arith.constant 0 : i32
    %dma_start3A_35 = arith.constant 0 : i32
    %dma_start3A_36 = tpu.memref_slice %arg6[%dma_start3A_33, %dma_start3A_34, %dma_start3A_35] : memref<4x16x1024xf32, #tpu.memory_space<vmem>> -> memref<1x16x1024xf32, #tpu.memory_space<vmem>>
    %dma_start3A_37 = tpu.memref_squeeze %dma_start3A_36 : memref<1x16x1024xf32, #tpu.memory_space<vmem>> -> memref<16x1024xf32, #tpu.memory_space<vmem>>
    %dma_start3A_38 = arith.constant 0 : i32
    %dma_start3A_39 = tpu.memref_slice %arg5[%dma_start3A, %dma_start3A_38] : memref<64x16xi32, #tpu.memory_space<vmem>> -> memref<1x16xi32, #tpu.memory_space<vmem>>
    %dma_start3A_40 = tpu.memref_squeeze %dma_start3A_39 : memref<1x16xi32, #tpu.memory_space<vmem>> -> memref<16xi32, #tpu.memory_space<vmem>>
    %dma_start3A_41 = arith.constant 0 : i32
    %dma_start3A_42 = arith.constant 0 : i32
    %dma_start3A_43 = tpu.memref_slice %arg2[%dma_start3A_41, %dma_start3A_42] : memref<8192x1024xf32, #tpu.memory_space<hbm>> -> memref<8192x1024xf32, #tpu.memory_space<hbm>>
    tpu.enqueue_indirect_dma source(%dma_start3A_43 : memref<8192x1024xf32, #tpu.memory_space<hbm>>) target(%dma_start3A_37 : memref<16x1024xf32, #tpu.memory_space<vmem>>) offsets(%dma_start3A_40 : memref<16xi32, #tpu.memory_space<vmem>>) semaphore(%arg7 : memref<!tpu.dma_semaphore, #tpu.memory_space<semaphore_mem>>)
    %dma_start3A_44 = arith.constant 1 : i32
    %dma_start3A_45 = arith.constant 1 : i32
    %dma_start3A_46 = arith.constant 0 : i32
    %dma_start3A_47 = arith.constant 0 : i32
    %dma_start3A_48 = tpu.memref_slice %arg6[%dma_start3A_45, %dma_start3A_46, %dma_start3A_47] : memref<4x16x1024xf32, #tpu.memory_space<vmem>> -> memref<1x16x1024xf32, #tpu.memory_space<vmem>>
    %dma_start3A_49 = tpu.memref_squeeze %dma_start3A_48 : memref<1x16x1024xf32, #tpu.memory_space<vmem>> -> memref<16x1024xf32, #tpu.memory_space<vmem>>
    %dma_start3A_50 = arith.constant 0 : i32
    %dma_start3A_51 = tpu.memref_slice %arg5[%dma_start3A_44, %dma_start3A_50] : memref<64x16xi32, #tpu.memory_space<vmem>> -> memref<1x16xi32, #tpu.memory_space<vmem>>
    %dma_start3A_52 = tpu.memref_squeeze %dma_start3A_51 : memref<1x16xi32, #tpu.memory_space<vmem>> -> memref<16xi32, #tpu.memory_space<vmem>>
    %dma_start3A_53 = arith.constant 0 : i32
    %dma_start3A_54 = arith.constant 0 : i32
    %dma_start3A_55 = tpu.memref_slice %arg2[%dma_start3A_53, %dma_start3A_54] : memref<8192x1024xf32, #tpu.memory_space<hbm>> -> memref<8192x1024xf32, #tpu.memory_space<hbm>>
    tpu.enqueue_indirect_dma source(%dma_start3A_55 : memref<8192x1024xf32, #tpu.memory_space<hbm>>) target(%dma_start3A_49 : memref<16x1024xf32, #tpu.memory_space<vmem>>) offsets(%dma_start3A_52 : memref<16xi32, #tpu.memory_space<vmem>>) semaphore(%arg8 : memref<!tpu.dma_semaphore, #tpu.memory_space<semaphore_mem>>)
    %dma_start3A_56 = arith.constant 2 : i32
    %dma_start3A_57 = arith.constant 2 : i32
    %dma_start3A_58 = arith.constant 0 : i32
    %dma_start3A_59 = arith.constant 0 : i32
    %dma_start3A_60 = tpu.memref_slice %arg6[%dma_start3A_57, %dma_start3A_58, %dma_start3A_59] : memref<4x16x1024xf32, #tpu.memory_space<vmem>> -> memref<1x16x1024xf32, #tpu.memory_space<vmem>>
    %dma_start3A_61 = tpu.memref_squeeze %dma_start3A_60 : memref<1x16x1024xf32, #tpu.memory_space<vmem>> -> memref<16x1024xf32, #tpu.memory_space<vmem>>
    %dma_start3A_62 = arith.constant 0 : i32
    %dma_start3A_63 = tpu.memref_slice %arg5[%dma_start3A_56, %dma_start3A_62] : memref<64x16xi32, #tpu.memory_space<vmem>> -> memref<1x16xi32, #tpu.memory_space<vmem>>
    %dma_start3A_64 = tpu.memref_squeeze %dma_start3A_63 : memref<1x16xi32, #tpu.memory_space<vmem>> -> memref<16xi32, #tpu.memory_space<vmem>>
    %dma_start3A_65 = arith.constant 0 : i32
    %dma_start3A_66 = arith.constant 0 : i32
    %dma_start3A_67 = tpu.memref_slice %arg2[%dma_start3A_65, %dma_start3A_66] : memref<8192x1024xf32, #tpu.memory_space<hbm>> -> memref<8192x1024xf32, #tpu.memory_space<hbm>>
    tpu.enqueue_indirect_dma source(%dma_start3A_67 : memref<8192x1024xf32, #tpu.memory_space<hbm>>) target(%dma_start3A_61 : memref<16x1024xf32, #tpu.memory_space<vmem>>) offsets(%dma_start3A_64 : memref<16xi32, #tpu.memory_space<vmem>>) semaphore(%arg9 : memref<!tpu.dma_semaphore, #tpu.memory_space<semaphore_mem>>)
    %dma_start3A_68 = arith.constant 3 : i32
    %dma_start3A_69 = arith.constant 3 : i32
    %dma_start3A_70 = arith.constant 0 : i32
    %dma_start3A_71 = arith.constant 0 : i32
    %dma_start3A_72 = tpu.memref_slice %arg6[%dma_start3A_69, %dma_start3A_70, %dma_start3A_71] : memref<4x16x1024xf32, #tpu.memory_space<vmem>> -> memref<1x16x1024xf32, #tpu.memory_space<vmem>>
    %dma_start3A_73 = tpu.memref_squeeze %dma_start3A_72 : memref<1x16x1024xf32, #tpu.memory_space<vmem>> -> memref<16x1024xf32, #tpu.memory_space<vmem>>
    %dma_start3A_74 = arith.constant 0 : i32
    %dma_start3A_75 = tpu.memref_slice %arg5[%dma_start3A_68, %dma_start3A_74] : memref<64x16xi32, #tpu.memory_space<vmem>> -> memref<1x16xi32, #tpu.memory_space<vmem>>
    %dma_start3A_76 = tpu.memref_squeeze %dma_start3A_75 : memref<1x16xi32, #tpu.memory_space<vmem>> -> memref<16xi32, #tpu.memory_space<vmem>>
    %dma_start3A_77 = arith.constant 0 : i32
    %dma_start3A_78 = arith.constant 0 : i32
    %dma_start3A_79 = tpu.memref_slice %arg2[%dma_start3A_77, %dma_start3A_78] : memref<8192x1024xf32, #tpu.memory_space<hbm>> -> memref<8192x1024xf32, #tpu.memory_space<hbm>>
    tpu.enqueue_indirect_dma source(%dma_start3A_79 : memref<8192x1024xf32, #tpu.memory_space<hbm>>) target(%dma_start3A_73 : memref<16x1024xf32, #tpu.memory_space<vmem>>) offsets(%dma_start3A_76 : memref<16xi32, #tpu.memory_space<vmem>>) semaphore(%arg10 : memref<!tpu.dma_semaphore, #tpu.memory_space<semaphore_mem>>)
    %scan3A = arith.constant 0 : i32
    %scan3A_80 = arith.constant 0 : i32
    %scan3A_81 = arith.constant 15 : i32
    %scan3A_82 = arith.addi %scan3A_80, %scan3A_81 : i32
    %scan3A_83 = arith.constant 1 : i32
    scf.for %scan3A_260 = %scan3A_80 to %scan3A_82 step %scan3A_83  : i32 {
      %mul3A_261 = arith.constant 4 : i32
      %mul3A_262 = arith.muli %scan3A_260, %mul3A_261 : i32
      %dma_wait3A_263 = arith.constant 0 : i32
      %dma_wait3A_264 = arith.constant 0 : i32
      %dma_wait3A_265 = arith.constant 0 : i32
      %dma_wait3A_266 = arith.constant 0 : i32
      %dma_wait3A_267 = tpu.memref_slice %arg6[%dma_wait3A_264, %dma_wait3A_265, %dma_wait3A_266] : memref<4x16x1024xf32, #tpu.memory_space<vmem>> -> memref<1x16x1024xf32, #tpu.memory_space<vmem>>
      %dma_wait3A_268 = tpu.memref_squeeze %dma_wait3A_267 : memref<1x16x1024xf32, #tpu.memory_space<vmem>> -> memref<16x1024xf32, #tpu.memory_space<vmem>>
      %dma_wait3A_269 = arith.constant 0 : i32
      %dma_wait3A_270 = tpu.memref_slice %arg5[%dma_wait3A_263, %dma_wait3A_269] : memref<64x16xi32, #tpu.memory_space<vmem>> -> memref<1x16xi32, #tpu.memory_space<vmem>>
      %dma_wait3A_271 = tpu.memref_squeeze %dma_wait3A_270 : memref<1x16xi32, #tpu.memory_space<vmem>> -> memref<16xi32, #tpu.memory_space<vmem>>
      %dma_wait3A_272 = arith.constant 0 : i32
      %dma_wait3A_273 = arith.constant 0 : i32
      %dma_wait3A_274 = tpu.memref_slice %arg2[%dma_wait3A_272, %dma_wait3A_273] : memref<8192x1024xf32, #tpu.memory_space<hbm>> -> memref<8192x1024xf32, #tpu.memory_space<hbm>>
      tpu.wait_indirect_dma semaphore(%arg7 : memref<!tpu.dma_semaphore, #tpu.memory_space<semaphore_mem>>) src(%dma_wait3A_274 : memref<8192x1024xf32, #tpu.memory_space<hbm>>) dst(%dma_wait3A_268 : memref<16x1024xf32, #tpu.memory_space<vmem>>)
      %add3A_275 = arith.constant 0 : i32
      %add3A_276 = arith.addi %mul3A_262, %add3A_275 : i32
      %mul3A_277 = arith.constant 16 : i32
      %mul3A_278 = arith.muli %add3A_276, %mul3A_277 : i32
      %add3A_279 = arith.addi %mul3A_32, %mul3A_278 : i32
      %dma_start3A_280 = arith.constant 0 : i32
      %dma_start3A_281 = arith.constant 0 : i32
      %dma_start3A_282 = arith.constant 0 : i32
      %dma_start3A_283 = tpu.memref_slice %arg6[%dma_start3A_280, %dma_start3A_281, %dma_start3A_282] : memref<4x16x1024xf32, #tpu.memory_space<vmem>> -> memref<1x16x1024xf32, #tpu.memory_space<vmem>>
      %dma_start3A_284 = tpu.memref_squeeze %dma_start3A_283 : memref<1x16x1024xf32, #tpu.memory_space<vmem>> -> memref<16x1024xf32, #tpu.memory_space<vmem>>
      %dma_start3A_285 = arith.constant 0 : i32
      %dma_start3A_286 = tpu.memref_slice %arg4[%add3A_279, %select_n3A_9, %dma_start3A_285] : memref<8192x4x1024xf32, #tpu.memory_space<hbm>> -> memref<16x1x1024xf32, #tpu.memory_space<hbm>>
      %dma_start3A_287 = tpu.memref_squeeze %dma_start3A_286 : memref<16x1x1024xf32, #tpu.memory_space<hbm>> -> memref<16x1024xf32, #tpu.memory_space<hbm>>
      %dma_start3A_288 = arith.constant 0 : i32
      %dma_start3A_289 = tpu.memref_slice %arg4[%add3A_279, %select_n3A_9, %dma_start3A_288] : memref<8192x4x1024xf32, #tpu.memory_space<hbm>> -> memref<16x1x1024xf32, #tpu.memory_space<hbm>>
      %dma_start3A_290 = tpu.memref_squeeze %dma_start3A_289 : memref<16x1x1024xf32, #tpu.memory_space<hbm>> -> memref<16x1024xf32, #tpu.memory_space<hbm>>
      %dma_start3A_291 = arith.constant 0 : i32
      %dma_start3A_292 = arith.constant 0 : i32
      %dma_start3A_293 = tpu.memref_slice %arg6[%dma_start3A_280, %dma_start3A_291, %dma_start3A_292] : memref<4x16x1024xf32, #tpu.memory_space<vmem>> -> memref<1x16x1024xf32, #tpu.memory_space<vmem>>
      %dma_start3A_294 = tpu.memref_squeeze %dma_start3A_293 : memref<1x16x1024xf32, #tpu.memory_space<vmem>> -> memref<16x1024xf32, #tpu.memory_space<vmem>>
      tpu.enqueue_dma source(%dma_start3A_294 : memref<16x1024xf32, #tpu.memory_space<vmem>>) target(%dma_start3A_290 : memref<16x1024xf32, #tpu.memory_space<hbm>>) target_semaphore(%arg11 : memref<!tpu.dma_semaphore, #tpu.memory_space<semaphore_mem>>)
      %dma_wait3A_295 = arith.constant 0 : i32
      %dma_wait3A_296 = arith.constant 1 : i32
      %dma_wait3A_297 = arith.constant 0 : i32
      %dma_wait3A_298 = arith.constant 0 : i32
      %dma_wait3A_299 = tpu.memref_slice %arg6[%dma_wait3A_296, %dma_wait3A_297, %dma_wait3A_298] : memref<4x16x1024xf32, #tpu.memory_space<vmem>> -> memref<1x16x1024xf32, #tpu.memory_space<vmem>>
      %dma_wait3A_300 = tpu.memref_squeeze %dma_wait3A_299 : memref<1x16x1024xf32, #tpu.memory_space<vmem>> -> memref<16x1024xf32, #tpu.memory_space<vmem>>
      %dma_wait3A_301 = arith.constant 0 : i32
      %dma_wait3A_302 = tpu.memref_slice %arg5[%dma_wait3A_295, %dma_wait3A_301] : memref<64x16xi32, #tpu.memory_space<vmem>> -> memref<1x16xi32, #tpu.memory_space<vmem>>
      %dma_wait3A_303 = tpu.memref_squeeze %dma_wait3A_302 : memref<1x16xi32, #tpu.memory_space<vmem>> -> memref<16xi32, #tpu.memory_space<vmem>>
      %dma_wait3A_304 = arith.constant 0 : i32
      %dma_wait3A_305 = arith.constant 0 : i32
      %dma_wait3A_306 = tpu.memref_slice %arg2[%dma_wait3A_304, %dma_wait3A_305] : memref<8192x1024xf32, #tpu.memory_space<hbm>> -> memref<8192x1024xf32, #tpu.memory_space<hbm>>
      tpu.wait_indirect_dma semaphore(%arg8 : memref<!tpu.dma_semaphore, #tpu.memory_space<semaphore_mem>>) src(%dma_wait3A_306 : memref<8192x1024xf32, #tpu.memory_space<hbm>>) dst(%dma_wait3A_300 : memref<16x1024xf32, #tpu.memory_space<vmem>>)
      %add3A_307 = arith.constant 1 : i32
      %add3A_308 = arith.addi %mul3A_262, %add3A_307 : i32
      %mul3A_309 = arith.constant 16 : i32
      %mul3A_310 = arith.muli %add3A_308, %mul3A_309 : i32
      %add3A_311 = arith.addi %mul3A_32, %mul3A_310 : i32
      %dma_start3A_312 = arith.constant 1 : i32
      %dma_start3A_313 = arith.constant 0 : i32
      %dma_start3A_314 = arith.constant 0 : i32
      %dma_start3A_315 = tpu.memref_slice %arg6[%dma_start3A_312, %dma_start3A_313, %dma_start3A_314] : memref<4x16x1024xf32, #tpu.memory_space<vmem>> -> memref<1x16x1024xf32, #tpu.memory_space<vmem>>
      %dma_start3A_316 = tpu.memref_squeeze %dma_start3A_315 : memref<1x16x1024xf32, #tpu.memory_space<vmem>> -> memref<16x1024xf32, #tpu.memory_space<vmem>>
      %dma_start3A_317 = arith.constant 0 : i32
      %dma_start3A_318 = tpu.memref_slice %arg4[%add3A_311, %select_n3A_9, %dma_start3A_317] : memref<8192x4x1024xf32, #tpu.memory_space<hbm>> -> memref<16x1x1024xf32, #tpu.memory_space<hbm>>
      %dma_start3A_319 = tpu.memref_squeeze %dma_start3A_318 : memref<16x1x1024xf32, #tpu.memory_space<hbm>> -> memref<16x1024xf32, #tpu.memory_space<hbm>>
      %dma_start3A_320 = arith.constant 0 : i32
      %dma_start3A_321 = tpu.memref_slice %arg4[%add3A_311, %select_n3A_9, %dma_start3A_320] : memref<8192x4x1024xf32, #tpu.memory_space<hbm>> -> memref<16x1x1024xf32, #tpu.memory_space<hbm>>
      %dma_start3A_322 = tpu.memref_squeeze %dma_start3A_321 : memref<16x1x1024xf32, #tpu.memory_space<hbm>> -> memref<16x1024xf32, #tpu.memory_space<hbm>>
      %dma_start3A_323 = arith.constant 0 : i32
      %dma_start3A_324 = arith.constant 0 : i32
      %dma_start3A_325 = tpu.memref_slice %arg6[%dma_start3A_312, %dma_start3A_323, %dma_start3A_324] : memref<4x16x1024xf32, #tpu.memory_space<vmem>> -> memref<1x16x1024xf32, #tpu.memory_space<vmem>>
      %dma_start3A_326 = tpu.memref_squeeze %dma_start3A_325 : memref<1x16x1024xf32, #tpu.memory_space<vmem>> -> memref<16x1024xf32, #tpu.memory_space<vmem>>
      tpu.enqueue_dma source(%dma_start3A_326 : memref<16x1024xf32, #tpu.memory_space<vmem>>) target(%dma_start3A_322 : memref<16x1024xf32, #tpu.memory_space<hbm>>) target_semaphore(%arg12 : memref<!tpu.dma_semaphore, #tpu.memory_space<semaphore_mem>>)
      %dma_wait3A_327 = arith.constant 0 : i32
      %dma_wait3A_328 = arith.constant 2 : i32
      %dma_wait3A_329 = arith.constant 0 : i32
      %dma_wait3A_330 = arith.constant 0 : i32
      %dma_wait3A_331 = tpu.memref_slice %arg6[%dma_wait3A_328, %dma_wait3A_329, %dma_wait3A_330] : memref<4x16x1024xf32, #tpu.memory_space<vmem>> -> memref<1x16x1024xf32, #tpu.memory_space<vmem>>
      %dma_wait3A_332 = tpu.memref_squeeze %dma_wait3A_331 : memref<1x16x1024xf32, #tpu.memory_space<vmem>> -> memref<16x1024xf32, #tpu.memory_space<vmem>>
      %dma_wait3A_333 = arith.constant 0 : i32
      %dma_wait3A_334 = tpu.memref_slice %arg5[%dma_wait3A_327, %dma_wait3A_333] : memref<64x16xi32, #tpu.memory_space<vmem>> -> memref<1x16xi32, #tpu.memory_space<vmem>>
      %dma_wait3A_335 = tpu.memref_squeeze %dma_wait3A_334 : memref<1x16xi32, #tpu.memory_space<vmem>> -> memref<16xi32, #tpu.memory_space<vmem>>
      %dma_wait3A_336 = arith.constant 0 : i32
      %dma_wait3A_337 = arith.constant 0 : i32
      %dma_wait3A_338 = tpu.memref_slice %arg2[%dma_wait3A_336, %dma_wait3A_337] : memref<8192x1024xf32, #tpu.memory_space<hbm>> -> memref<8192x1024xf32, #tpu.memory_space<hbm>>
      tpu.wait_indirect_dma semaphore(%arg9 : memref<!tpu.dma_semaphore, #tpu.memory_space<semaphore_mem>>) src(%dma_wait3A_338 : memref<8192x1024xf32, #tpu.memory_space<hbm>>) dst(%dma_wait3A_332 : memref<16x1024xf32, #tpu.memory_space<vmem>>)
      %add3A_339 = arith.constant 2 : i32
      %add3A_340 = arith.addi %mul3A_262, %add3A_339 : i32
      %mul3A_341 = arith.constant 16 : i32
      %mul3A_342 = arith.muli %add3A_340, %mul3A_341 : i32
      %add3A_343 = arith.addi %mul3A_32, %mul3A_342 : i32
      %dma_start3A_344 = arith.constant 2 : i32
      %dma_start3A_345 = arith.constant 0 : i32
      %dma_start3A_346 = arith.constant 0 : i32
      %dma_start3A_347 = tpu.memref_slice %arg6[%dma_start3A_344, %dma_start3A_345, %dma_start3A_346] : memref<4x16x1024xf32, #tpu.memory_space<vmem>> -> memref<1x16x1024xf32, #tpu.memory_space<vmem>>
      %dma_start3A_348 = tpu.memref_squeeze %dma_start3A_347 : memref<1x16x1024xf32, #tpu.memory_space<vmem>> -> memref<16x1024xf32, #tpu.memory_space<vmem>>
      %dma_start3A_349 = arith.constant 0 : i32
      %dma_start3A_350 = tpu.memref_slice %arg4[%add3A_343, %select_n3A_9, %dma_start3A_349] : memref<8192x4x1024xf32, #tpu.memory_space<hbm>> -> memref<16x1x1024xf32, #tpu.memory_space<hbm>>
      %dma_start3A_351 = tpu.memref_squeeze %dma_start3A_350 : memref<16x1x1024xf32, #tpu.memory_space<hbm>> -> memref<16x1024xf32, #tpu.memory_space<hbm>>
      %dma_start3A_352 = arith.constant 0 : i32
      %dma_start3A_353 = tpu.memref_slice %arg4[%add3A_343, %select_n3A_9, %dma_start3A_352] : memref<8192x4x1024xf32, #tpu.memory_space<hbm>> -> memref<16x1x1024xf32, #tpu.memory_space<hbm>>
      %dma_start3A_354 = tpu.memref_squeeze %dma_start3A_353 : memref<16x1x1024xf32, #tpu.memory_space<hbm>> -> memref<16x1024xf32, #tpu.memory_space<hbm>>
      %dma_start3A_355 = arith.constant 0 : i32
      %dma_start3A_356 = arith.constant 0 : i32
      %dma_start3A_357 = tpu.memref_slice %arg6[%dma_start3A_344, %dma_start3A_355, %dma_start3A_356] : memref<4x16x1024xf32, #tpu.memory_space<vmem>> -> memref<1x16x1024xf32, #tpu.memory_space<vmem>>
      %dma_start3A_358 = tpu.memref_squeeze %dma_start3A_357 : memref<1x16x1024xf32, #tpu.memory_space<vmem>> -> memref<16x1024xf32, #tpu.memory_space<vmem>>
      tpu.enqueue_dma source(%dma_start3A_358 : memref<16x1024xf32, #tpu.memory_space<vmem>>) target(%dma_start3A_354 : memref<16x1024xf32, #tpu.memory_space<hbm>>) target_semaphore(%arg13 : memref<!tpu.dma_semaphore, #tpu.memory_space<semaphore_mem>>)
      %dma_wait3A_359 = arith.constant 0 : i32
      %dma_wait3A_360 = arith.constant 3 : i32
      %dma_wait3A_361 = arith.constant 0 : i32
      %dma_wait3A_362 = arith.constant 0 : i32
      %dma_wait3A_363 = tpu.memref_slice %arg6[%dma_wait3A_360, %dma_wait3A_361, %dma_wait3A_362] : memref<4x16x1024xf32, #tpu.memory_space<vmem>> -> memref<1x16x1024xf32, #tpu.memory_space<vmem>>
      %dma_wait3A_364 = tpu.memref_squeeze %dma_wait3A_363 : memref<1x16x1024xf32, #tpu.memory_space<vmem>> -> memref<16x1024xf32, #tpu.memory_space<vmem>>
      %dma_wait3A_365 = arith.constant 0 : i32
      %dma_wait3A_366 = tpu.memref_slice %arg5[%dma_wait3A_359, %dma_wait3A_365] : memref<64x16xi32, #tpu.memory_space<vmem>> -> memref<1x16xi32, #tpu.memory_space<vmem>>
      %dma_wait3A_367 = tpu.memref_squeeze %dma_wait3A_366 : memref<1x16xi32, #tpu.memory_space<vmem>> -> memref<16xi32, #tpu.memory_space<vmem>>
      %dma_wait3A_368 = arith.constant 0 : i32
      %dma_wait3A_369 = arith.constant 0 : i32
      %dma_wait3A_370 = tpu.memref_slice %arg2[%dma_wait3A_368, %dma_wait3A_369] : memref<8192x1024xf32, #tpu.memory_space<hbm>> -> memref<8192x1024xf32, #tpu.memory_space<hbm>>
      tpu.wait_indirect_dma semaphore(%arg10 : memref<!tpu.dma_semaphore, #tpu.memory_space<semaphore_mem>>) src(%dma_wait3A_370 : memref<8192x1024xf32, #tpu.memory_space<hbm>>) dst(%dma_wait3A_364 : memref<16x1024xf32, #tpu.memory_space<vmem>>)
      %add3A_371 = arith.constant 3 : i32
      %add3A_372 = arith.addi %mul3A_262, %add3A_371 : i32
      %mul3A_373 = arith.constant 16 : i32
      %mul3A_374 = arith.muli %add3A_372, %mul3A_373 : i32
      %add3A_375 = arith.addi %mul3A_32, %mul3A_374 : i32
      %dma_start3A_376 = arith.constant 3 : i32
      %dma_start3A_377 = arith.constant 0 : i32
      %dma_start3A_378 = arith.constant 0 : i32
      %dma_start3A_379 = tpu.memref_slice %arg6[%dma_start3A_376, %dma_start3A_377, %dma_start3A_378] : memref<4x16x1024xf32, #tpu.memory_space<vmem>> -> memref<1x16x1024xf32, #tpu.memory_space<vmem>>
      %dma_start3A_380 = tpu.memref_squeeze %dma_start3A_379 : memref<1x16x1024xf32, #tpu.memory_space<vmem>> -> memref<16x1024xf32, #tpu.memory_space<vmem>>
      %dma_start3A_381 = arith.constant 0 : i32
      %dma_start3A_382 = tpu.memref_slice %arg4[%add3A_375, %select_n3A_9, %dma_start3A_381] : memref<8192x4x1024xf32, #tpu.memory_space<hbm>> -> memref<16x1x1024xf32, #tpu.memory_space<hbm>>
      %dma_start3A_383 = tpu.memref_squeeze %dma_start3A_382 : memref<16x1x1024xf32, #tpu.memory_space<hbm>> -> memref<16x1024xf32, #tpu.memory_space<hbm>>
      %dma_start3A_384 = arith.constant 0 : i32
      %dma_start3A_385 = tpu.memref_slice %arg4[%add3A_375, %select_n3A_9, %dma_start3A_384] : memref<8192x4x1024xf32, #tpu.memory_space<hbm>> -> memref<16x1x1024xf32, #tpu.memory_space<hbm>>
      %dma_start3A_386 = tpu.memref_squeeze %dma_start3A_385 : memref<16x1x1024xf32, #tpu.memory_space<hbm>> -> memref<16x1024xf32, #tpu.memory_space<hbm>>
      %dma_start3A_387 = arith.constant 0 : i32
      %dma_start3A_388 = arith.constant 0 : i32
      %dma_start3A_389 = tpu.memref_slice %arg6[%dma_start3A_376, %dma_start3A_387, %dma_start3A_388] : memref<4x16x1024xf32, #tpu.memory_space<vmem>> -> memref<1x16x1024xf32, #tpu.memory_space<vmem>>
      %dma_start3A_390 = tpu.memref_squeeze %dma_start3A_389 : memref<1x16x1024xf32, #tpu.memory_space<vmem>> -> memref<16x1024xf32, #tpu.memory_space<vmem>>
      tpu.enqueue_dma source(%dma_start3A_390 : memref<16x1024xf32, #tpu.memory_space<vmem>>) target(%dma_start3A_386 : memref<16x1024xf32, #tpu.memory_space<hbm>>) target_semaphore(%arg14 : memref<!tpu.dma_semaphore, #tpu.memory_space<semaphore_mem>>)
      %dma_wait3A_391 = arith.constant 0 : i32
      %dma_wait3A_392 = arith.constant 0 : i32
      %dma_wait3A_393 = arith.constant 0 : i32
      %dma_wait3A_394 = tpu.memref_slice %arg6[%dma_wait3A_391, %dma_wait3A_392, %dma_wait3A_393] : memref<4x16x1024xf32, #tpu.memory_space<vmem>> -> memref<1x16x1024xf32, #tpu.memory_space<vmem>>
      %dma_wait3A_395 = tpu.memref_squeeze %dma_wait3A_394 : memref<1x16x1024xf32, #tpu.memory_space<vmem>> -> memref<16x1024xf32, #tpu.memory_space<vmem>>
      %dma_wait3A_396 = arith.constant 0 : i32
      %dma_wait3A_397 = tpu.memref_slice %arg4[%mul3A_32, %select_n3A_9, %dma_wait3A_396] : memref<8192x4x1024xf32, #tpu.memory_space<hbm>> -> memref<16x1x1024xf32, #tpu.memory_space<hbm>>
      %dma_wait3A_398 = tpu.memref_squeeze %dma_wait3A_397 : memref<16x1x1024xf32, #tpu.memory_space<hbm>> -> memref<16x1024xf32, #tpu.memory_space<hbm>>
      %dma_wait3A_399 = arith.constant 0 : i32
      %dma_wait3A_400 = tpu.memref_slice %arg4[%mul3A_32, %select_n3A_9, %dma_wait3A_399] : memref<8192x4x1024xf32, #tpu.memory_space<hbm>> -> memref<16x1x1024xf32, #tpu.memory_space<hbm>>
      %dma_wait3A_401 = tpu.memref_squeeze %dma_wait3A_400 : memref<16x1x1024xf32, #tpu.memory_space<hbm>> -> memref<16x1024xf32, #tpu.memory_space<hbm>>
      %dma_wait3A_402 = arith.constant 0 : i32
      %dma_wait3A_403 = arith.constant 0 : i32
      %dma_wait3A_404 = tpu.memref_slice %arg6[%dma_wait3A_391, %dma_wait3A_402, %dma_wait3A_403] : memref<4x16x1024xf32, #tpu.memory_space<vmem>> -> memref<1x16x1024xf32, #tpu.memory_space<vmem>>
      %dma_wait3A_405 = tpu.memref_squeeze %dma_wait3A_404 : memref<1x16x1024xf32, #tpu.memory_space<vmem>> -> memref<16x1024xf32, #tpu.memory_space<vmem>>
      tpu.wait_dma2 semaphore(%arg11 : memref<!tpu.dma_semaphore, #tpu.memory_space<semaphore_mem>>) src(%dma_wait3A_405 : memref<16x1024xf32, #tpu.memory_space<vmem>>) dst(%dma_wait3A_401 : memref<16x1024xf32, #tpu.memory_space<hbm>>)
      %add3A_406 = arith.constant 0 : i32
      %add3A_407 = arith.addi %mul3A_262, %add3A_406 : i32
      %add3A_408 = arith.constant 4 : i32
      %add3A_409 = arith.addi %add3A_407, %add3A_408 : i32
      %dma_start3A_410 = arith.constant 0 : i32
      %dma_start3A_411 = arith.constant 0 : i32
      %dma_start3A_412 = arith.constant 0 : i32
      %dma_start3A_413 = tpu.memref_slice %arg6[%dma_start3A_410, %dma_start3A_411, %dma_start3A_412] : memref<4x16x1024xf32, #tpu.memory_space<vmem>> -> memref<1x16x1024xf32, #tpu.memory_space<vmem>>
      %dma_start3A_414 = tpu.memref_squeeze %dma_start3A_413 : memref<1x16x1024xf32, #tpu.memory_space<vmem>> -> memref<16x1024xf32, #tpu.memory_space<vmem>>
      %dma_start3A_415 = arith.constant 0 : i32
      %dma_start3A_416 = tpu.memref_slice %arg5[%add3A_409, %dma_start3A_415] : memref<64x16xi32, #tpu.memory_space<vmem>> -> memref<1x16xi32, #tpu.memory_space<vmem>>
      %dma_start3A_417 = tpu.memref_squeeze %dma_start3A_416 : memref<1x16xi32, #tpu.memory_space<vmem>> -> memref<16xi32, #tpu.memory_space<vmem>>
      %dma_start3A_418 = arith.constant 0 : i32
      %dma_start3A_419 = arith.constant 0 : i32
      %dma_start3A_420 = tpu.memref_slice %arg2[%dma_start3A_418, %dma_start3A_419] : memref<8192x1024xf32, #tpu.memory_space<hbm>> -> memref<8192x1024xf32, #tpu.memory_space<hbm>>
      tpu.enqueue_indirect_dma source(%dma_start3A_420 : memref<8192x1024xf32, #tpu.memory_space<hbm>>) target(%dma_start3A_414 : memref<16x1024xf32, #tpu.memory_space<vmem>>) offsets(%dma_start3A_417 : memref<16xi32, #tpu.memory_space<vmem>>) semaphore(%arg7 : memref<!tpu.dma_semaphore, #tpu.memory_space<semaphore_mem>>)
      %dma_wait3A_421 = arith.constant 1 : i32
      %dma_wait3A_422 = arith.constant 0 : i32
      %dma_wait3A_423 = arith.constant 0 : i32
      %dma_wait3A_424 = tpu.memref_slice %arg6[%dma_wait3A_421, %dma_wait3A_422, %dma_wait3A_423] : memref<4x16x1024xf32, #tpu.memory_space<vmem>> -> memref<1x16x1024xf32, #tpu.memory_space<vmem>>
      %dma_wait3A_425 = tpu.memref_squeeze %dma_wait3A_424 : memref<1x16x1024xf32, #tpu.memory_space<vmem>> -> memref<16x1024xf32, #tpu.memory_space<vmem>>
      %dma_wait3A_426 = arith.constant 0 : i32
      %dma_wait3A_427 = tpu.memref_slice %arg4[%mul3A_32, %select_n3A_9, %dma_wait3A_426] : memref<8192x4x1024xf32, #tpu.memory_space<hbm>> -> memref<16x1x1024xf32, #tpu.memory_space<hbm>>
      %dma_wait3A_428 = tpu.memref_squeeze %dma_wait3A_427 : memref<16x1x1024xf32, #tpu.memory_space<hbm>> -> memref<16x1024xf32, #tpu.memory_space<hbm>>
      %dma_wait3A_429 = arith.constant 0 : i32
      %dma_wait3A_430 = tpu.memref_slice %arg4[%mul3A_32, %select_n3A_9, %dma_wait3A_429] : memref<8192x4x1024xf32, #tpu.memory_space<hbm>> -> memref<16x1x1024xf32, #tpu.memory_space<hbm>>
      %dma_wait3A_431 = tpu.memref_squeeze %dma_wait3A_430 : memref<16x1x1024xf32, #tpu.memory_space<hbm>> -> memref<16x1024xf32, #tpu.memory_space<hbm>>
      %dma_wait3A_432 = arith.constant 0 : i32
      %dma_wait3A_433 = arith.constant 0 : i32
      %dma_wait3A_434 = tpu.memref_slice %arg6[%dma_wait3A_421, %dma_wait3A_432, %dma_wait3A_433] : memref<4x16x1024xf32, #tpu.memory_space<vmem>> -> memref<1x16x1024xf32, #tpu.memory_space<vmem>>
      %dma_wait3A_435 = tpu.memref_squeeze %dma_wait3A_434 : memref<1x16x1024xf32, #tpu.memory_space<vmem>> -> memref<16x1024xf32, #tpu.memory_space<vmem>>
      tpu.wait_dma2 semaphore(%arg12 : memref<!tpu.dma_semaphore, #tpu.memory_space<semaphore_mem>>) src(%dma_wait3A_435 : memref<16x1024xf32, #tpu.memory_space<vmem>>) dst(%dma_wait3A_431 : memref<16x1024xf32, #tpu.memory_space<hbm>>)
      %add3A_436 = arith.constant 1 : i32
      %add3A_437 = arith.addi %mul3A_262, %add3A_436 : i32
      %add3A_438 = arith.constant 4 : i32
      %add3A_439 = arith.addi %add3A_437, %add3A_438 : i32
      %dma_start3A_440 = arith.constant 1 : i32
      %dma_start3A_441 = arith.constant 0 : i32
      %dma_start3A_442 = arith.constant 0 : i32
      %dma_start3A_443 = tpu.memref_slice %arg6[%dma_start3A_440, %dma_start3A_441, %dma_start3A_442] : memref<4x16x1024xf32, #tpu.memory_space<vmem>> -> memref<1x16x1024xf32, #tpu.memory_space<vmem>>
      %dma_start3A_444 = tpu.memref_squeeze %dma_start3A_443 : memref<1x16x1024xf32, #tpu.memory_space<vmem>> -> memref<16x1024xf32, #tpu.memory_space<vmem>>
      %dma_start3A_445 = arith.constant 0 : i32
      %dma_start3A_446 = tpu.memref_slice %arg5[%add3A_439, %dma_start3A_445] : memref<64x16xi32, #tpu.memory_space<vmem>> -> memref<1x16xi32, #tpu.memory_space<vmem>>
      %dma_start3A_447 = tpu.memref_squeeze %dma_start3A_446 : memref<1x16xi32, #tpu.memory_space<vmem>> -> memref<16xi32, #tpu.memory_space<vmem>>
      %dma_start3A_448 = arith.constant 0 : i32
      %dma_start3A_449 = arith.constant 0 : i32
      %dma_start3A_450 = tpu.memref_slice %arg2[%dma_start3A_448, %dma_start3A_449] : memref<8192x1024xf32, #tpu.memory_space<hbm>> -> memref<8192x1024xf32, #tpu.memory_space<hbm>>
      tpu.enqueue_indirect_dma source(%dma_start3A_450 : memref<8192x1024xf32, #tpu.memory_space<hbm>>) target(%dma_start3A_444 : memref<16x1024xf32, #tpu.memory_space<vmem>>) offsets(%dma_start3A_447 : memref<16xi32, #tpu.memory_space<vmem>>) semaphore(%arg8 : memref<!tpu.dma_semaphore, #tpu.memory_space<semaphore_mem>>)
      %dma_wait3A_451 = arith.constant 2 : i32
      %dma_wait3A_452 = arith.constant 0 : i32
      %dma_wait3A_453 = arith.constant 0 : i32
      %dma_wait3A_454 = tpu.memref_slice %arg6[%dma_wait3A_451, %dma_wait3A_452, %dma_wait3A_453] : memref<4x16x1024xf32, #tpu.memory_space<vmem>> -> memref<1x16x1024xf32, #tpu.memory_space<vmem>>
      %dma_wait3A_455 = tpu.memref_squeeze %dma_wait3A_454 : memref<1x16x1024xf32, #tpu.memory_space<vmem>> -> memref<16x1024xf32, #tpu.memory_space<vmem>>
      %dma_wait3A_456 = arith.constant 0 : i32
      %dma_wait3A_457 = tpu.memref_slice %arg4[%mul3A_32, %select_n3A_9, %dma_wait3A_456] : memref<8192x4x1024xf32, #tpu.memory_space<hbm>> -> memref<16x1x1024xf32, #tpu.memory_space<hbm>>
      %dma_wait3A_458 = tpu.memref_squeeze %dma_wait3A_457 : memref<16x1x1024xf32, #tpu.memory_space<hbm>> -> memref<16x1024xf32, #tpu.memory_space<hbm>>
      %dma_wait3A_459 = arith.constant 0 : i32
      %dma_wait3A_460 = tpu.memref_slice %arg4[%mul3A_32, %select_n3A_9, %dma_wait3A_459] : memref<8192x4x1024xf32, #tpu.memory_space<hbm>> -> memref<16x1x1024xf32, #tpu.memory_space<hbm>>
      %dma_wait3A_461 = tpu.memref_squeeze %dma_wait3A_460 : memref<16x1x1024xf32, #tpu.memory_space<hbm>> -> memref<16x1024xf32, #tpu.memory_space<hbm>>
      %dma_wait3A_462 = arith.constant 0 : i32
      %dma_wait3A_463 = arith.constant 0 : i32
      %dma_wait3A_464 = tpu.memref_slice %arg6[%dma_wait3A_451, %dma_wait3A_462, %dma_wait3A_463] : memref<4x16x1024xf32, #tpu.memory_space<vmem>> -> memref<1x16x1024xf32, #tpu.memory_space<vmem>>
      %dma_wait3A_465 = tpu.memref_squeeze %dma_wait3A_464 : memref<1x16x1024xf32, #tpu.memory_space<vmem>> -> memref<16x1024xf32, #tpu.memory_space<vmem>>
      tpu.wait_dma2 semaphore(%arg13 : memref<!tpu.dma_semaphore, #tpu.memory_space<semaphore_mem>>) src(%dma_wait3A_465 : memref<16x1024xf32, #tpu.memory_space<vmem>>) dst(%dma_wait3A_461 : memref<16x1024xf32, #tpu.memory_space<hbm>>)
      %add3A_466 = arith.constant 2 : i32
      %add3A_467 = arith.addi %mul3A_262, %add3A_466 : i32
      %add3A_468 = arith.constant 4 : i32
      %add3A_469 = arith.addi %add3A_467, %add3A_468 : i32
      %dma_start3A_470 = arith.constant 2 : i32
      %dma_start3A_471 = arith.constant 0 : i32
      %dma_start3A_472 = arith.constant 0 : i32
      %dma_start3A_473 = tpu.memref_slice %arg6[%dma_start3A_470, %dma_start3A_471, %dma_start3A_472] : memref<4x16x1024xf32, #tpu.memory_space<vmem>> -> memref<1x16x1024xf32, #tpu.memory_space<vmem>>
      %dma_start3A_474 = tpu.memref_squeeze %dma_start3A_473 : memref<1x16x1024xf32, #tpu.memory_space<vmem>> -> memref<16x1024xf32, #tpu.memory_space<vmem>>
      %dma_start3A_475 = arith.constant 0 : i32
      %dma_start3A_476 = tpu.memref_slice %arg5[%add3A_469, %dma_start3A_475] : memref<64x16xi32, #tpu.memory_space<vmem>> -> memref<1x16xi32, #tpu.memory_space<vmem>>
      %dma_start3A_477 = tpu.memref_squeeze %dma_start3A_476 : memref<1x16xi32, #tpu.memory_space<vmem>> -> memref<16xi32, #tpu.memory_space<vmem>>
      %dma_start3A_478 = arith.constant 0 : i32
      %dma_start3A_479 = arith.constant 0 : i32
      %dma_start3A_480 = tpu.memref_slice %arg2[%dma_start3A_478, %dma_start3A_479] : memref<8192x1024xf32, #tpu.memory_space<hbm>> -> memref<8192x1024xf32, #tpu.memory_space<hbm>>
      tpu.enqueue_indirect_dma source(%dma_start3A_480 : memref<8192x1024xf32, #tpu.memory_space<hbm>>) target(%dma_start3A_474 : memref<16x1024xf32, #tpu.memory_space<vmem>>) offsets(%dma_start3A_477 : memref<16xi32, #tpu.memory_space<vmem>>) semaphore(%arg9 : memref<!tpu.dma_semaphore, #tpu.memory_space<semaphore_mem>>)
      %dma_wait3A_481 = arith.constant 3 : i32
      %dma_wait3A_482 = arith.constant 0 : i32
      %dma_wait3A_483 = arith.constant 0 : i32
      %dma_wait3A_484 = tpu.memref_slice %arg6[%dma_wait3A_481, %dma_wait3A_482, %dma_wait3A_483] : memref<4x16x1024xf32, #tpu.memory_space<vmem>> -> memref<1x16x1024xf32, #tpu.memory_space<vmem>>
      %dma_wait3A_485 = tpu.memref_squeeze %dma_wait3A_484 : memref<1x16x1024xf32, #tpu.memory_space<vmem>> -> memref<16x1024xf32, #tpu.memory_space<vmem>>
      %dma_wait3A_486 = arith.constant 0 : i32
      %dma_wait3A_487 = tpu.memref_slice %arg4[%mul3A_32, %select_n3A_9, %dma_wait3A_486] : memref<8192x4x1024xf32, #tpu.memory_space<hbm>> -> memref<16x1x1024xf32, #tpu.memory_space<hbm>>
      %dma_wait3A_488 = tpu.memref_squeeze %dma_wait3A_487 : memref<16x1x1024xf32, #tpu.memory_space<hbm>> -> memref<16x1024xf32, #tpu.memory_space<hbm>>
      %dma_wait3A_489 = arith.constant 0 : i32
      %dma_wait3A_490 = tpu.memref_slice %arg4[%mul3A_32, %select_n3A_9, %dma_wait3A_489] : memref<8192x4x1024xf32, #tpu.memory_space<hbm>> -> memref<16x1x1024xf32, #tpu.memory_space<hbm>>
      %dma_wait3A_491 = tpu.memref_squeeze %dma_wait3A_490 : memref<16x1x1024xf32, #tpu.memory_space<hbm>> -> memref<16x1024xf32, #tpu.memory_space<hbm>>
      %dma_wait3A_492 = arith.constant 0 : i32
      %dma_wait3A_493 = arith.constant 0 : i32
      %dma_wait3A_494 = tpu.memref_slice %arg6[%dma_wait3A_481, %dma_wait3A_492, %dma_wait3A_493] : memref<4x16x1024xf32, #tpu.memory_space<vmem>> -> memref<1x16x1024xf32, #tpu.memory_space<vmem>>
      %dma_wait3A_495 = tpu.memref_squeeze %dma_wait3A_494 : memref<1x16x1024xf32, #tpu.memory_space<vmem>> -> memref<16x1024xf32, #tpu.memory_space<vmem>>
      tpu.wait_dma2 semaphore(%arg14 : memref<!tpu.dma_semaphore, #tpu.memory_space<semaphore_mem>>) src(%dma_wait3A_495 : memref<16x1024xf32, #tpu.memory_space<vmem>>) dst(%dma_wait3A_491 : memref<16x1024xf32, #tpu.memory_space<hbm>>)
      %add3A_496 = arith.constant 3 : i32
      %add3A_497 = arith.addi %mul3A_262, %add3A_496 : i32
      %add3A_498 = arith.constant 4 : i32
      %add3A_499 = arith.addi %add3A_497, %add3A_498 : i32
      %dma_start3A_500 = arith.constant 3 : i32
      %dma_start3A_501 = arith.constant 0 : i32
      %dma_start3A_502 = arith.constant 0 : i32
      %dma_start3A_503 = tpu.memref_slice %arg6[%dma_start3A_500, %dma_start3A_501, %dma_start3A_502] : memref<4x16x1024xf32, #tpu.memory_space<vmem>> -> memref<1x16x1024xf32, #tpu.memory_space<vmem>>
      %dma_start3A_504 = tpu.memref_squeeze %dma_start3A_503 : memref<1x16x1024xf32, #tpu.memory_space<vmem>> -> memref<16x1024xf32, #tpu.memory_space<vmem>>
      %dma_start3A_505 = arith.constant 0 : i32
      %dma_start3A_506 = tpu.memref_slice %arg5[%add3A_499, %dma_start3A_505] : memref<64x16xi32, #tpu.memory_space<vmem>> -> memref<1x16xi32, #tpu.memory_space<vmem>>
      %dma_start3A_507 = tpu.memref_squeeze %dma_start3A_506 : memref<1x16xi32, #tpu.memory_space<vmem>> -> memref<16xi32, #tpu.memory_space<vmem>>
      %dma_start3A_508 = arith.constant 0 : i32
      %dma_start3A_509 = arith.constant 0 : i32
      %dma_start3A_510 = tpu.memref_slice %arg2[%dma_start3A_508, %dma_start3A_509] : memref<8192x1024xf32, #tpu.memory_space<hbm>> -> memref<8192x1024xf32, #tpu.memory_space<hbm>>
      tpu.enqueue_indirect_dma source(%dma_start3A_510 : memref<8192x1024xf32, #tpu.memory_space<hbm>>) target(%dma_start3A_504 : memref<16x1024xf32, #tpu.memory_space<vmem>>) offsets(%dma_start3A_507 : memref<16xi32, #tpu.memory_space<vmem>>) semaphore(%arg10 : memref<!tpu.dma_semaphore, #tpu.memory_space<semaphore_mem>>)
    }
    %scan3A_84 = arith.constant 15 : i32
    %dma_wait3A = arith.constant 0 : i32
    %dma_wait3A_85 = arith.constant 0 : i32
    %dma_wait3A_86 = arith.constant 0 : i32
    %dma_wait3A_87 = arith.constant 0 : i32
    %dma_wait3A_88 = tpu.memref_slice %arg6[%dma_wait3A_85, %dma_wait3A_86, %dma_wait3A_87] : memref<4x16x1024xf32, #tpu.memory_space<vmem>> -> memref<1x16x1024xf32, #tpu.memory_space<vmem>>
    %dma_wait3A_89 = tpu.memref_squeeze %dma_wait3A_88 : memref<1x16x1024xf32, #tpu.memory_space<vmem>> -> memref<16x1024xf32, #tpu.memory_space<vmem>>
    %dma_wait3A_90 = arith.constant 0 : i32
    %dma_wait3A_91 = tpu.memref_slice %arg5[%dma_wait3A, %dma_wait3A_90] : memref<64x16xi32, #tpu.memory_space<vmem>> -> memref<1x16xi32, #tpu.memory_space<vmem>>
    %dma_wait3A_92 = tpu.memref_squeeze %dma_wait3A_91 : memref<1x16xi32, #tpu.memory_space<vmem>> -> memref<16xi32, #tpu.memory_space<vmem>>
    %dma_wait3A_93 = arith.constant 0 : i32
    %dma_wait3A_94 = arith.constant 0 : i32
    %dma_wait3A_95 = tpu.memref_slice %arg2[%dma_wait3A_93, %dma_wait3A_94] : memref<8192x1024xf32, #tpu.memory_space<hbm>> -> memref<8192x1024xf32, #tpu.memory_space<hbm>>
    tpu.wait_indirect_dma semaphore(%arg7 : memref<!tpu.dma_semaphore, #tpu.memory_space<semaphore_mem>>) src(%dma_wait3A_95 : memref<8192x1024xf32, #tpu.memory_space<hbm>>) dst(%dma_wait3A_89 : memref<16x1024xf32, #tpu.memory_space<vmem>>)
    %add3A_96 = arith.constant 960 : i32
    %add3A_97 = arith.addi %mul3A_32, %add3A_96 : i32
    %dma_start3A_98 = arith.constant 0 : i32
    %dma_start3A_99 = arith.constant 0 : i32
    %dma_start3A_100 = arith.constant 0 : i32
    %dma_start3A_101 = tpu.memref_slice %arg6[%dma_start3A_98, %dma_start3A_99, %dma_start3A_100] : memref<4x16x1024xf32, #tpu.memory_space<vmem>> -> memref<1x16x1024xf32, #tpu.memory_space<vmem>>
    %dma_start3A_102 = tpu.memref_squeeze %dma_start3A_101 : memref<1x16x1024xf32, #tpu.memory_space<vmem>> -> memref<16x1024xf32, #tpu.memory_space<vmem>>
    %dma_start3A_103 = arith.constant 0 : i32
    %dma_start3A_104 = tpu.memref_slice %arg4[%add3A_97, %select_n3A_9, %dma_start3A_103] : memref<8192x4x1024xf32, #tpu.memory_space<hbm>> -> memref<16x1x1024xf32, #tpu.memory_space<hbm>>
    %dma_start3A_105 = tpu.memref_squeeze %dma_start3A_104 : memref<16x1x1024xf32, #tpu.memory_space<hbm>> -> memref<16x1024xf32, #tpu.memory_space<hbm>>
    %dma_start3A_106 = arith.constant 0 : i32
    %dma_start3A_107 = tpu.memref_slice %arg4[%add3A_97, %select_n3A_9, %dma_start3A_106] : memref<8192x4x1024xf32, #tpu.memory_space<hbm>> -> memref<16x1x1024xf32, #tpu.memory_space<hbm>>
    %dma_start3A_108 = tpu.memref_squeeze %dma_start3A_107 : memref<16x1x1024xf32, #tpu.memory_space<hbm>> -> memref<16x1024xf32, #tpu.memory_space<hbm>>
    %dma_start3A_109 = arith.constant 0 : i32
    %dma_start3A_110 = arith.constant 0 : i32
    %dma_start3A_111 = tpu.memref_slice %arg6[%dma_start3A_98, %dma_start3A_109, %dma_start3A_110] : memref<4x16x1024xf32, #tpu.memory_space<vmem>> -> memref<1x16x1024xf32, #tpu.memory_space<vmem>>
    %dma_start3A_112 = tpu.memref_squeeze %dma_start3A_111 : memref<1x16x1024xf32, #tpu.memory_space<vmem>> -> memref<16x1024xf32, #tpu.memory_space<vmem>>
    tpu.enqueue_dma source(%dma_start3A_112 : memref<16x1024xf32, #tpu.memory_space<vmem>>) target(%dma_start3A_108 : memref<16x1024xf32, #tpu.memory_space<hbm>>) target_semaphore(%arg11 : memref<!tpu.dma_semaphore, #tpu.memory_space<semaphore_mem>>)
    %dma_wait3A_113 = arith.constant 0 : i32
    %dma_wait3A_114 = arith.constant 1 : i32
    %dma_wait3A_115 = arith.constant 0 : i32
    %dma_wait3A_116 = arith.constant 0 : i32
    %dma_wait3A_117 = tpu.memref_slice %arg6[%dma_wait3A_114, %dma_wait3A_115, %dma_wait3A_116] : memref<4x16x1024xf32, #tpu.memory_space<vmem>> -> memref<1x16x1024xf32, #tpu.memory_space<vmem>>
    %dma_wait3A_118 = tpu.memref_squeeze %dma_wait3A_117 : memref<1x16x1024xf32, #tpu.memory_space<vmem>> -> memref<16x1024xf32, #tpu.memory_space<vmem>>
    %dma_wait3A_119 = arith.constant 0 : i32
    %dma_wait3A_120 = tpu.memref_slice %arg5[%dma_wait3A_113, %dma_wait3A_119] : memref<64x16xi32, #tpu.memory_space<vmem>> -> memref<1x16xi32, #tpu.memory_space<vmem>>
    %dma_wait3A_121 = tpu.memref_squeeze %dma_wait3A_120 : memref<1x16xi32, #tpu.memory_space<vmem>> -> memref<16xi32, #tpu.memory_space<vmem>>
    %dma_wait3A_122 = arith.constant 0 : i32
    %dma_wait3A_123 = arith.constant 0 : i32
    %dma_wait3A_124 = tpu.memref_slice %arg2[%dma_wait3A_122, %dma_wait3A_123] : memref<8192x1024xf32, #tpu.memory_space<hbm>> -> memref<8192x1024xf32, #tpu.memory_space<hbm>>
    tpu.wait_indirect_dma semaphore(%arg8 : memref<!tpu.dma_semaphore, #tpu.memory_space<semaphore_mem>>) src(%dma_wait3A_124 : memref<8192x1024xf32, #tpu.memory_space<hbm>>) dst(%dma_wait3A_118 : memref<16x1024xf32, #tpu.memory_space<vmem>>)
    %add3A_125 = arith.constant 976 : i32
    %add3A_126 = arith.addi %mul3A_32, %add3A_125 : i32
    %dma_start3A_127 = arith.constant 1 : i32
    %dma_start3A_128 = arith.constant 0 : i32
    %dma_start3A_129 = arith.constant 0 : i32
    %dma_start3A_130 = tpu.memref_slice %arg6[%dma_start3A_127, %dma_start3A_128, %dma_start3A_129] : memref<4x16x1024xf32, #tpu.memory_space<vmem>> -> memref<1x16x1024xf32, #tpu.memory_space<vmem>>
    %dma_start3A_131 = tpu.memref_squeeze %dma_start3A_130 : memref<1x16x1024xf32, #tpu.memory_space<vmem>> -> memref<16x1024xf32, #tpu.memory_space<vmem>>
    %dma_start3A_132 = arith.constant 0 : i32
    %dma_start3A_133 = tpu.memref_slice %arg4[%add3A_126, %select_n3A_9, %dma_start3A_132] : memref<8192x4x1024xf32, #tpu.memory_space<hbm>> -> memref<16x1x1024xf32, #tpu.memory_space<hbm>>
    %dma_start3A_134 = tpu.memref_squeeze %dma_start3A_133 : memref<16x1x1024xf32, #tpu.memory_space<hbm>> -> memref<16x1024xf32, #tpu.memory_space<hbm>>
    %dma_start3A_135 = arith.constant 0 : i32
    %dma_start3A_136 = tpu.memref_slice %arg4[%add3A_126, %select_n3A_9, %dma_start3A_135] : memref<8192x4x1024xf32, #tpu.memory_space<hbm>> -> memref<16x1x1024xf32, #tpu.memory_space<hbm>>
    %dma_start3A_137 = tpu.memref_squeeze %dma_start3A_136 : memref<16x1x1024xf32, #tpu.memory_space<hbm>> -> memref<16x1024xf32, #tpu.memory_space<hbm>>
    %dma_start3A_138 = arith.constant 0 : i32
    %dma_start3A_139 = arith.constant 0 : i32
    %dma_start3A_140 = tpu.memref_slice %arg6[%dma_start3A_127, %dma_start3A_138, %dma_start3A_139] : memref<4x16x1024xf32, #tpu.memory_space<vmem>> -> memref<1x16x1024xf32, #tpu.memory_space<vmem>>
    %dma_start3A_141 = tpu.memref_squeeze %dma_start3A_140 : memref<1x16x1024xf32, #tpu.memory_space<vmem>> -> memref<16x1024xf32, #tpu.memory_space<vmem>>
    tpu.enqueue_dma source(%dma_start3A_141 : memref<16x1024xf32, #tpu.memory_space<vmem>>) target(%dma_start3A_137 : memref<16x1024xf32, #tpu.memory_space<hbm>>) target_semaphore(%arg12 : memref<!tpu.dma_semaphore, #tpu.memory_space<semaphore_mem>>)
    %dma_wait3A_142 = arith.constant 0 : i32
    %dma_wait3A_143 = arith.constant 2 : i32
    %dma_wait3A_144 = arith.constant 0 : i32
    %dma_wait3A_145 = arith.constant 0 : i32
    %dma_wait3A_146 = tpu.memref_slice %arg6[%dma_wait3A_143, %dma_wait3A_144, %dma_wait3A_145] : memref<4x16x1024xf32, #tpu.memory_space<vmem>> -> memref<1x16x1024xf32, #tpu.memory_space<vmem>>
    %dma_wait3A_147 = tpu.memref_squeeze %dma_wait3A_146 : memref<1x16x1024xf32, #tpu.memory_space<vmem>> -> memref<16x1024xf32, #tpu.memory_space<vmem>>
    %dma_wait3A_148 = arith.constant 0 : i32
    %dma_wait3A_149 = tpu.memref_slice %arg5[%dma_wait3A_142, %dma_wait3A_148] : memref<64x16xi32, #tpu.memory_space<vmem>> -> memref<1x16xi32, #tpu.memory_space<vmem>>
    %dma_wait3A_150 = tpu.memref_squeeze %dma_wait3A_149 : memref<1x16xi32, #tpu.memory_space<vmem>> -> memref<16xi32, #tpu.memory_space<vmem>>
    %dma_wait3A_151 = arith.constant 0 : i32
    %dma_wait3A_152 = arith.constant 0 : i32
    %dma_wait3A_153 = tpu.memref_slice %arg2[%dma_wait3A_151, %dma_wait3A_152] : memref<8192x1024xf32, #tpu.memory_space<hbm>> -> memref<8192x1024xf32, #tpu.memory_space<hbm>>
    tpu.wait_indirect_dma semaphore(%arg9 : memref<!tpu.dma_semaphore, #tpu.memory_space<semaphore_mem>>) src(%dma_wait3A_153 : memref<8192x1024xf32, #tpu.memory_space<hbm>>) dst(%dma_wait3A_147 : memref<16x1024xf32, #tpu.memory_space<vmem>>)
    %add3A_154 = arith.constant 992 : i32
    %add3A_155 = arith.addi %mul3A_32, %add3A_154 : i32
    %dma_start3A_156 = arith.constant 2 : i32
    %dma_start3A_157 = arith.constant 0 : i32
    %dma_start3A_158 = arith.constant 0 : i32
    %dma_start3A_159 = tpu.memref_slice %arg6[%dma_start3A_156, %dma_start3A_157, %dma_start3A_158] : memref<4x16x1024xf32, #tpu.memory_space<vmem>> -> memref<1x16x1024xf32, #tpu.memory_space<vmem>>
    %dma_start3A_160 = tpu.memref_squeeze %dma_start3A_159 : memref<1x16x1024xf32, #tpu.memory_space<vmem>> -> memref<16x1024xf32, #tpu.memory_space<vmem>>
    %dma_start3A_161 = arith.constant 0 : i32
    %dma_start3A_162 = tpu.memref_slice %arg4[%add3A_155, %select_n3A_9, %dma_start3A_161] : memref<8192x4x1024xf32, #tpu.memory_space<hbm>> -> memref<16x1x1024xf32, #tpu.memory_space<hbm>>
    %dma_start3A_163 = tpu.memref_squeeze %dma_start3A_162 : memref<16x1x1024xf32, #tpu.memory_space<hbm>> -> memref<16x1024xf32, #tpu.memory_space<hbm>>
    %dma_start3A_164 = arith.constant 0 : i32
    %dma_start3A_165 = tpu.memref_slice %arg4[%add3A_155, %select_n3A_9, %dma_start3A_164] : memref<8192x4x1024xf32, #tpu.memory_space<hbm>> -> memref<16x1x1024xf32, #tpu.memory_space<hbm>>
    %dma_start3A_166 = tpu.memref_squeeze %dma_start3A_165 : memref<16x1x1024xf32, #tpu.memory_space<hbm>> -> memref<16x1024xf32, #tpu.memory_space<hbm>>
    %dma_start3A_167 = arith.constant 0 : i32
    %dma_start3A_168 = arith.constant 0 : i32
    %dma_start3A_169 = tpu.memref_slice %arg6[%dma_start3A_156, %dma_start3A_167, %dma_start3A_168] : memref<4x16x1024xf32, #tpu.memory_space<vmem>> -> memref<1x16x1024xf32, #tpu.memory_space<vmem>>
    %dma_start3A_170 = tpu.memref_squeeze %dma_start3A_169 : memref<1x16x1024xf32, #tpu.memory_space<vmem>> -> memref<16x1024xf32, #tpu.memory_space<vmem>>
    tpu.enqueue_dma source(%dma_start3A_170 : memref<16x1024xf32, #tpu.memory_space<vmem>>) target(%dma_start3A_166 : memref<16x1024xf32, #tpu.memory_space<hbm>>) target_semaphore(%arg13 : memref<!tpu.dma_semaphore, #tpu.memory_space<semaphore_mem>>)
    %dma_wait3A_171 = arith.constant 0 : i32
    %dma_wait3A_172 = arith.constant 3 : i32
    %dma_wait3A_173 = arith.constant 0 : i32
    %dma_wait3A_174 = arith.constant 0 : i32
    %dma_wait3A_175 = tpu.memref_slice %arg6[%dma_wait3A_172, %dma_wait3A_173, %dma_wait3A_174] : memref<4x16x1024xf32, #tpu.memory_space<vmem>> -> memref<1x16x1024xf32, #tpu.memory_space<vmem>>
    %dma_wait3A_176 = tpu.memref_squeeze %dma_wait3A_175 : memref<1x16x1024xf32, #tpu.memory_space<vmem>> -> memref<16x1024xf32, #tpu.memory_space<vmem>>
    %dma_wait3A_177 = arith.constant 0 : i32
    %dma_wait3A_178 = tpu.memref_slice %arg5[%dma_wait3A_171, %dma_wait3A_177] : memref<64x16xi32, #tpu.memory_space<vmem>> -> memref<1x16xi32, #tpu.memory_space<vmem>>
    %dma_wait3A_179 = tpu.memref_squeeze %dma_wait3A_178 : memref<1x16xi32, #tpu.memory_space<vmem>> -> memref<16xi32, #tpu.memory_space<vmem>>
    %dma_wait3A_180 = arith.constant 0 : i32
    %dma_wait3A_181 = arith.constant 0 : i32
    %dma_wait3A_182 = tpu.memref_slice %arg2[%dma_wait3A_180, %dma_wait3A_181] : memref<8192x1024xf32, #tpu.memory_space<hbm>> -> memref<8192x1024xf32, #tpu.memory_space<hbm>>
    tpu.wait_indirect_dma semaphore(%arg10 : memref<!tpu.dma_semaphore, #tpu.memory_space<semaphore_mem>>) src(%dma_wait3A_182 : memref<8192x1024xf32, #tpu.memory_space<hbm>>) dst(%dma_wait3A_176 : memref<16x1024xf32, #tpu.memory_space<vmem>>)
    %add3A_183 = arith.constant 1008 : i32
    %add3A_184 = arith.addi %mul3A_32, %add3A_183 : i32
    %dma_start3A_185 = arith.constant 3 : i32
    %dma_start3A_186 = arith.constant 0 : i32
    %dma_start3A_187 = arith.constant 0 : i32
    %dma_start3A_188 = tpu.memref_slice %arg6[%dma_start3A_185, %dma_start3A_186, %dma_start3A_187] : memref<4x16x1024xf32, #tpu.memory_space<vmem>> -> memref<1x16x1024xf32, #tpu.memory_space<vmem>>
    %dma_start3A_189 = tpu.memref_squeeze %dma_start3A_188 : memref<1x16x1024xf32, #tpu.memory_space<vmem>> -> memref<16x1024xf32, #tpu.memory_space<vmem>>
    %dma_start3A_190 = arith.constant 0 : i32
    %dma_start3A_191 = tpu.memref_slice %arg4[%add3A_184, %select_n3A_9, %dma_start3A_190] : memref<8192x4x1024xf32, #tpu.memory_space<hbm>> -> memref<16x1x1024xf32, #tpu.memory_space<hbm>>
    %dma_start3A_192 = tpu.memref_squeeze %dma_start3A_191 : memref<16x1x1024xf32, #tpu.memory_space<hbm>> -> memref<16x1024xf32, #tpu.memory_space<hbm>>
    %dma_start3A_193 = arith.constant 0 : i32
    %dma_start3A_194 = tpu.memref_slice %arg4[%add3A_184, %select_n3A_9, %dma_start3A_193] : memref<8192x4x1024xf32, #tpu.memory_space<hbm>> -> memref<16x1x1024xf32, #tpu.memory_space<hbm>>
    %dma_start3A_195 = tpu.memref_squeeze %dma_start3A_194 : memref<16x1x1024xf32, #tpu.memory_space<hbm>> -> memref<16x1024xf32, #tpu.memory_space<hbm>>
    %dma_start3A_196 = arith.constant 0 : i32
    %dma_start3A_197 = arith.constant 0 : i32
    %dma_start3A_198 = tpu.memref_slice %arg6[%dma_start3A_185, %dma_start3A_196, %dma_start3A_197] : memref<4x16x1024xf32, #tpu.memory_space<vmem>> -> memref<1x16x1024xf32, #tpu.memory_space<vmem>>
    %dma_start3A_199 = tpu.memref_squeeze %dma_start3A_198 : memref<1x16x1024xf32, #tpu.memory_space<vmem>> -> memref<16x1024xf32, #tpu.memory_space<vmem>>
    tpu.enqueue_dma source(%dma_start3A_199 : memref<16x1024xf32, #tpu.memory_space<vmem>>) target(%dma_start3A_195 : memref<16x1024xf32, #tpu.memory_space<hbm>>) target_semaphore(%arg14 : memref<!tpu.dma_semaphore, #tpu.memory_space<semaphore_mem>>)
    %dma_wait3A_200 = arith.constant 0 : i32
    %dma_wait3A_201 = arith.constant 0 : i32
    %dma_wait3A_202 = arith.constant 0 : i32
    %dma_wait3A_203 = tpu.memref_slice %arg6[%dma_wait3A_200, %dma_wait3A_201, %dma_wait3A_202] : memref<4x16x1024xf32, #tpu.memory_space<vmem>> -> memref<1x16x1024xf32, #tpu.memory_space<vmem>>
    %dma_wait3A_204 = tpu.memref_squeeze %dma_wait3A_203 : memref<1x16x1024xf32, #tpu.memory_space<vmem>> -> memref<16x1024xf32, #tpu.memory_space<vmem>>
    %dma_wait3A_205 = arith.constant 0 : i32
    %dma_wait3A_206 = tpu.memref_slice %arg4[%mul3A_32, %select_n3A_9, %dma_wait3A_205] : memref<8192x4x1024xf32, #tpu.memory_space<hbm>> -> memref<16x1x1024xf32, #tpu.memory_space<hbm>>
    %dma_wait3A_207 = tpu.memref_squeeze %dma_wait3A_206 : memref<16x1x1024xf32, #tpu.memory_space<hbm>> -> memref<16x1024xf32, #tpu.memory_space<hbm>>
    %dma_wait3A_208 = arith.constant 0 : i32
    %dma_wait3A_209 = tpu.memref_slice %arg4[%mul3A_32, %select_n3A_9, %dma_wait3A_208] : memref<8192x4x1024xf32, #tpu.memory_space<hbm>> -> memref<16x1x1024xf32, #tpu.memory_space<hbm>>
    %dma_wait3A_210 = tpu.memref_squeeze %dma_wait3A_209 : memref<16x1x1024xf32, #tpu.memory_space<hbm>> -> memref<16x1024xf32, #tpu.memory_space<hbm>>
    %dma_wait3A_211 = arith.constant 0 : i32
    %dma_wait3A_212 = arith.constant 0 : i32
    %dma_wait3A_213 = tpu.memref_slice %arg6[%dma_wait3A_200, %dma_wait3A_211, %dma_wait3A_212] : memref<4x16x1024xf32, #tpu.memory_space<vmem>> -> memref<1x16x1024xf32, #tpu.memory_space<vmem>>
    %dma_wait3A_214 = tpu.memref_squeeze %dma_wait3A_213 : memref<1x16x1024xf32, #tpu.memory_space<vmem>> -> memref<16x1024xf32, #tpu.memory_space<vmem>>
    tpu.wait_dma2 semaphore(%arg11 : memref<!tpu.dma_semaphore, #tpu.memory_space<semaphore_mem>>) src(%dma_wait3A_214 : memref<16x1024xf32, #tpu.memory_space<vmem>>) dst(%dma_wait3A_210 : memref<16x1024xf32, #tpu.memory_space<hbm>>)
    %dma_wait3A_215 = arith.constant 1 : i32
    %dma_wait3A_216 = arith.constant 0 : i32
    %dma_wait3A_217 = arith.constant 0 : i32
    %dma_wait3A_218 = tpu.memref_slice %arg6[%dma_wait3A_215, %dma_wait3A_216, %dma_wait3A_217] : memref<4x16x1024xf32, #tpu.memory_space<vmem>> -> memref<1x16x1024xf32, #tpu.memory_space<vmem>>
    %dma_wait3A_219 = tpu.memref_squeeze %dma_wait3A_218 : memref<1x16x1024xf32, #tpu.memory_space<vmem>> -> memref<16x1024xf32, #tpu.memory_space<vmem>>
    %dma_wait3A_220 = arith.constant 0 : i32
    %dma_wait3A_221 = tpu.memref_slice %arg4[%mul3A_32, %select_n3A_9, %dma_wait3A_220] : memref<8192x4x1024xf32, #tpu.memory_space<hbm>> -> memref<16x1x1024xf32, #tpu.memory_space<hbm>>
    %dma_wait3A_222 = tpu.memref_squeeze %dma_wait3A_221 : memref<16x1x1024xf32, #tpu.memory_space<hbm>> -> memref<16x1024xf32, #tpu.memory_space<hbm>>
    %dma_wait3A_223 = arith.constant 0 : i32
    %dma_wait3A_224 = tpu.memref_slice %arg4[%mul3A_32, %select_n3A_9, %dma_wait3A_223] : memref<8192x4x1024xf32, #tpu.memory_space<hbm>> -> memref<16x1x1024xf32, #tpu.memory_space<hbm>>
    %dma_wait3A_225 = tpu.memref_squeeze %dma_wait3A_224 : memref<16x1x1024xf32, #tpu.memory_space<hbm>> -> memref<16x1024xf32, #tpu.memory_space<hbm>>
    %dma_wait3A_226 = arith.constant 0 : i32
    %dma_wait3A_227 = arith.constant 0 : i32
    %dma_wait3A_228 = tpu.memref_slice %arg6[%dma_wait3A_215, %dma_wait3A_226, %dma_wait3A_227] : memref<4x16x1024xf32, #tpu.memory_space<vmem>> -> memref<1x16x1024xf32, #tpu.memory_space<vmem>>
    %dma_wait3A_229 = tpu.memref_squeeze %dma_wait3A_228 : memref<1x16x1024xf32, #tpu.memory_space<vmem>> -> memref<16x1024xf32, #tpu.memory_space<vmem>>
    tpu.wait_dma2 semaphore(%arg12 : memref<!tpu.dma_semaphore, #tpu.memory_space<semaphore_mem>>) src(%dma_wait3A_229 : memref<16x1024xf32, #tpu.memory_space<vmem>>) dst(%dma_wait3A_225 : memref<16x1024xf32, #tpu.memory_space<hbm>>)
    %dma_wait3A_230 = arith.constant 2 : i32
    %dma_wait3A_231 = arith.constant 0 : i32
    %dma_wait3A_232 = arith.constant 0 : i32
    %dma_wait3A_233 = tpu.memref_slice %arg6[%dma_wait3A_230, %dma_wait3A_231, %dma_wait3A_232] : memref<4x16x1024xf32, #tpu.memory_space<vmem>> -> memref<1x16x1024xf32, #tpu.memory_space<vmem>>
    %dma_wait3A_234 = tpu.memref_squeeze %dma_wait3A_233 : memref<1x16x1024xf32, #tpu.memory_space<vmem>> -> memref<16x1024xf32, #tpu.memory_space<vmem>>
    %dma_wait3A_235 = arith.constant 0 : i32
    %dma_wait3A_236 = tpu.memref_slice %arg4[%mul3A_32, %select_n3A_9, %dma_wait3A_235] : memref<8192x4x1024xf32, #tpu.memory_space<hbm>> -> memref<16x1x1024xf32, #tpu.memory_space<hbm>>
    %dma_wait3A_237 = tpu.memref_squeeze %dma_wait3A_236 : memref<16x1x1024xf32, #tpu.memory_space<hbm>> -> memref<16x1024xf32, #tpu.memory_space<hbm>>
    %dma_wait3A_238 = arith.constant 0 : i32
    %dma_wait3A_239 = tpu.memref_slice %arg4[%mul3A_32, %select_n3A_9, %dma_wait3A_238] : memref<8192x4x1024xf32, #tpu.memory_space<hbm>> -> memref<16x1x1024xf32, #tpu.memory_space<hbm>>
    %dma_wait3A_240 = tpu.memref_squeeze %dma_wait3A_239 : memref<16x1x1024xf32, #tpu.memory_space<hbm>> -> memref<16x1024xf32, #tpu.memory_space<hbm>>
    %dma_wait3A_241 = arith.constant 0 : i32
    %dma_wait3A_242 = arith.constant 0 : i32
    %dma_wait3A_243 = tpu.memref_slice %arg6[%dma_wait3A_230, %dma_wait3A_241, %dma_wait3A_242] : memref<4x16x1024xf32, #tpu.memory_space<vmem>> -> memref<1x16x1024xf32, #tpu.memory_space<vmem>>
    %dma_wait3A_244 = tpu.memref_squeeze %dma_wait3A_243 : memref<1x16x1024xf32, #tpu.memory_space<vmem>> -> memref<16x1024xf32, #tpu.memory_space<vmem>>
    tpu.wait_dma2 semaphore(%arg13 : memref<!tpu.dma_semaphore, #tpu.memory_space<semaphore_mem>>) src(%dma_wait3A_244 : memref<16x1024xf32, #tpu.memory_space<vmem>>) dst(%dma_wait3A_240 : memref<16x1024xf32, #tpu.memory_space<hbm>>)
    %dma_wait3A_245 = arith.constant 3 : i32
    %dma_wait3A_246 = arith.constant 0 : i32
    %dma_wait3A_247 = arith.constant 0 : i32
    %dma_wait3A_248 = tpu.memref_slice %arg6[%dma_wait3A_245, %dma_wait3A_246, %dma_wait3A_247] : memref<4x16x1024xf32, #tpu.memory_space<vmem>> -> memref<1x16x1024xf32, #tpu.memory_space<vmem>>
    %dma_wait3A_249 = tpu.memref_squeeze %dma_wait3A_248 : memref<1x16x1024xf32, #tpu.memory_space<vmem>> -> memref<16x1024xf32, #tpu.memory_space<vmem>>
    %dma_wait3A_250 = arith.constant 0 : i32
    %dma_wait3A_251 = tpu.memref_slice %arg4[%mul3A_32, %select_n3A_9, %dma_wait3A_250] : memref<8192x4x1024xf32, #tpu.memory_space<hbm>> -> memref<16x1x1024xf32, #tpu.memory_space<hbm>>
    %dma_wait3A_252 = tpu.memref_squeeze %dma_wait3A_251 : memref<16x1x1024xf32, #tpu.memory_space<hbm>> -> memref<16x1024xf32, #tpu.memory_space<hbm>>
    %dma_wait3A_253 = arith.constant 0 : i32
    %dma_wait3A_254 = tpu.memref_slice %arg4[%mul3A_32, %select_n3A_9, %dma_wait3A_253] : memref<8192x4x1024xf32, #tpu.memory_space<hbm>> -> memref<16x1x1024xf32, #tpu.memory_space<hbm>>
    %dma_wait3A_255 = tpu.memref_squeeze %dma_wait3A_254 : memref<16x1x1024xf32, #tpu.memory_space<hbm>> -> memref<16x1024xf32, #tpu.memory_space<hbm>>
    %dma_wait3A_256 = arith.constant 0 : i32
    %dma_wait3A_257 = arith.constant 0 : i32
    %dma_wait3A_258 = tpu.memref_slice %arg6[%dma_wait3A_245, %dma_wait3A_256, %dma_wait3A_257] : memref<4x16x1024xf32, #tpu.memory_space<vmem>> -> memref<1x16x1024xf32, #tpu.memory_space<vmem>>
    %dma_wait3A_259 = tpu.memref_squeeze %dma_wait3A_258 : memref<1x16x1024xf32, #tpu.memory_space<vmem>> -> memref<16x1024xf32, #tpu.memory_space<vmem>>
    tpu.wait_dma2 semaphore(%arg14 : memref<!tpu.dma_semaphore, #tpu.memory_space<semaphore_mem>>) src(%dma_wait3A_259 : memref<16x1024xf32, #tpu.memory_space<vmem>>) dst(%dma_wait3A_255 : memref<16x1024xf32, #tpu.memory_space<hbm>>)
    return
  }
}

</mosaic_0001>

<sc_bundles>
// kernel: kernel.3.cloned.1.call-start
scs
__scs_entry_jumppad:
0x0: {  	(pc) =	sbr.rel $0x88, $3  }
0x1: {  	(tag) =	ssettag $0x0;
	lr =	simm.s32 $0x1  }
0x2: {  	[smem:$0x3F9F] =	sst lr;
	_ =	strace $0xD0000000  }
0x3: {  	_ = 	snop  }
0x4: {  	_ = 	snop  }
0x5: {  	_ = 	snop  }
0x6: {  	_ = 	snop  }
0x7: {  	_ = 	snop  }
__scs_overlays_trampoline_lowered:
0x8: {  	[smem:$0x3FAE] =	sst s0  }
0x9: {  	[smem:$0x3FAF] =	sst s1  }
0xa: {  	[smem:$0x3FB0] =	sst s2  }
0xb: {  	[smem:$0x3FB1] =	sst s3  }
0xc: {  	[smem:$0x3FB2] =	sst s4  }
0xd: {  	[smem:$0x3FB3] =	sst s5  }
0xe: {  	[smem:$0x3FB4] =	sst s6  }
0xf: {  	[smem:$0x3FB5] =	sst s7  }
0x10: {  	[smem:$0x3FB6] =	sst s8  }
0x11: {  	[smem:$0x3FB7] =	sst s9;
	s0 =	simm.s32 @!p0 $0x0  }
0x12: {  	s1 =	sld [smem:$0x3F9D];
	s0 =	simm.s32 @p0 $0x1  }
0x13: {  	[smem:$0x3FB8] =	sst s0;
	s0 =	simm.s32 @!p1 $0x0  }
0x14: {  	s2 =	sld [smem:$0x3F9C];
	s0 =	simm.s32 @p1 $0x1  }
0x15: {  	[smem:$0x3FB9] =	sst s0;
	s0 =	simm.s32 @!p2 $0x0  }
0x16: {  	s3 =	sld [smem:$0x3FDB];
	s0 =	simm.s32 @p2 $0x1  }
0x17: {  	s4 =	simm.s32 $0x1BF5;
	[smem:$0x3FBB] =	sst s0  }
0x18: {  	s0 =	sld [smem:$0x3F9E];
	_ =	swait.ge [sflag:s4], $0x0  }
0x19: {  	s7 =	sld [smem:$0x3F9F]  }
0x1a: {  	s8 =	sadd.s32 $0xFFFFE003, lr  }
0x1b: {  	s9 =	sadd.s32 $0xFFFFFEF7, lr;
	s5 =	simm.s32 $0xFFFFFFFF;
	p2 =	slt.u32 s8, $0xFFFFF086  }
0x1c: {  	p1 =	slt.u32 s9, $0xF7A;
	s5 =	simm.s32 @!p2 $0x0  }
0x1d: {  	s5 =	simm.s32 @p1 $0x1;
	p0 =	seq.s32 s7, s2  }
0x1e: {  	s7 =	smul.u32 @!p0 $0xF7A, s2;
	p2 =	seq.s32 @!p0 s5, $0x0  }
0x1f: {  	s9 =	smul.u32 $0xF7A, s1;
	s8 =	simm.s32 @!p0 $0x1BF5;
	p2 =	por !p2, p0  }
0x20: {  	[sflag:s8] =	ssyncset.s32 @!p0 $0xFFFFF086;
	s6 =	sadd.s32 @!p0 s3, s7;
	s7 =	simm.s32 @!p0 $0x108  }
0x21: {  	s3 =	sadd.s32 s3, s9;
	s6 =	sadd.s32 @!p0 $0x88, s6;
	s7 =	simm.s32 @p2 $0x1082  }
0x22: {  	[simem:s7], [sflag:s8] =	dma.local @!p0 [hbm:s6], $0xF7A  }
0x23: {  	s9 =	sor.u32 $0xD0000000, s2;
	s6 =	simm.s32 $0x108;
	_ =	swait.ge @!p0 [sflag:s8], $0x0  }
0x24: {  	s3 =	sadd.s32 $0x88, s3;
	s6 =	simm.s32 @!p1 $0x1082;
	[sflag:s4] =	ssyncset.s32 $0xFFFFF086  }
0x25: {  	[simem:s6], [sflag:s4] =	dma.local [hbm:s3], $0xF7A  }
0x26: {  	[smem:$0x3F9F] =	sst s1;
	(tag) =	ssettag s2;
	_ =	strace s9  }
0x27: {  	s1 =	sld [smem:$0x3FAF]  }
0x28: {  	s2 =	sld [smem:$0x3FB0]  }
0x29: {  	s4 =	sld [smem:$0x3FB2]  }
0x2a: {  	p0 =	seq.s32 s5, $0x0;
	s5 =	sld [smem:$0x3FB3]  }
0x2b: {  	s6 =	sld [smem:$0x3FB4]  }
0x2c: {  	s7 =	sld [smem:$0x3FB5]  }
0x2d: {  	s3 =	simm.s32 $0x108;
	s8 =	sld [smem:$0x3FB6]  }
0x2e: {  	s3 =	simm.s32 @!p0 $0x1082;
	s9 =	sld [smem:$0x3FB7]  }
0x2f: {  	lr =	sadd.s32 s0, s3;
	s0 =	sld [smem:$0x3FAE]  }
0x30: {  	s3 =	sld [smem:$0x3FB1]  }
0x31: {  	[smem:$0x3FBA] =	sst s10  }
0x32: {  	s10 =	sld [smem:$0x3FB8];
	_ =	sdelay $0x3  }
0x33: {  	p0 =	seq.s32 s10, $0x1;
	s10 =	sld [smem:$0x3FBA];
	_ =	sdelay $0x3  }
0x34: {  	[smem:$0x3FBA] =	sst s10  }
0x35: {  	s10 =	sld [smem:$0x3FB9];
	_ =	sdelay $0x3  }
0x36: {  	p1 =	seq.s32 s10, $0x1;
	s10 =	sld [smem:$0x3FBA];
	_ =	sdelay $0x3  }
0x37: {  	[smem:$0x3FBA] =	sst s10  }
0x38: {  	s10 =	sld [smem:$0x3FBB]  }
0x39: {  	_ = 	snop;
	(pc) =	sbr.ind lr, $3  }
0x3a: {  	_ = 	snop  }
0x3b: {  	_ = 	snop  }
0x3c: {  	p2 =	seq.s32 s10, $0x1;
	s10 =	sld [smem:$0x3FBA]  }
0x3d: {  	_ =	shalt  }
0x3e: {  	_ =	shalt  }
0x3f: {  	_ =	shalt  }
0x40: {  	_ =	shalt  }
0x41: {  	_ =	shalt  }
0x42: {  	_ =	shalt  }
0x43: {  	_ =	shalt  }
0x44: {  	_ =	shalt  }
0x45: {  	_ =	shalt  }
0x46: {  	_ =	shalt  }
0x47: {  	_ =	shalt  }
0x48: {  	_ =	shalt  }
0x49: {  	_ =	shalt  }
0x4a: {  	_ =	shalt  }
0x4b: {  	_ =	shalt  }
0x4c: {  	_ =	shalt  }
0x4d: {  	_ =	shalt  }
0x4e: {  	_ =	shalt  }
0x4f: {  	_ =	shalt  }
0x50: {  	_ =	shalt  }
0x51: {  	_ =	shalt  }
0x52: {  	_ =	shalt  }
0x53: {  	_ =	shalt  }
0x54: {  	_ =	shalt  }
0x55: {  	_ =	shalt  }
0x56: {  	_ =	shalt  }
0x57: {  	_ =	shalt  }
0x58: {  	_ =	shalt  }
0x59: {  	_ =	shalt  }
0x5a: {  	_ =	shalt  }
0x5b: {  	_ =	shalt  }
0x5c: {  	_ =	shalt  }
0x5d: {  	_ =	shalt  }
0x5e: {  	_ =	shalt  }
0x5f: {  	_ =	shalt  }
0x60: {  	_ =	shalt  }
0x61: {  	_ =	shalt  }
0x62: {  	_ =	shalt  }
0x63: {  	_ =	shalt  }
0x64: {  	_ =	shalt  }
0x65: {  	_ =	shalt  }
0x66: {  	_ =	shalt  }
0x67: {  	_ =	shalt  }
0x68: {  	_ =	shalt  }
0x69: {  	_ =	shalt  }
0x6a: {  	_ =	shalt  }
0x6b: {  	_ =	shalt  }
0x6c: {  	_ =	shalt  }
0x6d: {  	_ =	shalt  }
0x6e: {  	_ =	shalt  }
0x6f: {  	_ =	shalt  }
0x70: {  	_ =	shalt  }
0x71: {  	_ =	shalt  }
0x72: {  	_ =	shalt  }
0x73: {  	_ =	shalt  }
0x74: {  	_ =	shalt  }
0x75: {  	_ =	shalt  }
0x76: {  	_ =	shalt  }
0x77: {  	_ =	shalt  }
0x78: {  	_ =	shalt  }
0x79: {  	_ =	shalt  }
0x7a: {  	_ =	shalt  }
0x7b: {  	_ =	shalt  }
0x7c: {  	_ =	shalt  }
0x7d: {  	_ =	shalt  }
0x7e: {  	_ =	shalt  }
0x7f: {  	_ =	shalt  }
0x80: {  	_ =	shalt  }
0x81: {  	_ =	shalt  }
0x82: {  	_ =	shalt  }
0x83: {  	_ =	shalt  }
0x84: {  	_ =	shalt  }
0x85: {  	_ =	shalt  }
0x86: {  	_ =	shalt  }
0x87: {  	_ =	shalt  }
.Lfunc_end0:
.L_simem_size_0:
called_computation_lowered:
.L_overlay_start_0:
0x88: {  	s2 =	sld [smem:$0x3FD9]  }
0x89: {  	s3 =	sld [smem:$0x3FFE];
	_ =	sdelay $0x1  }
0x8a: {  	s1 =	srdreg.scid  }
0x8b: {  	s0 =	sand.u32 $0x1, s1  }
0x8c: {  	s17 =	sshll.u32 s0, $0xA;
	s2 =	sadd.s32 s3, s2  }
0x8d: {  	s2 =	sadd.s32 s2, s17  }
0x8e: {  	[smem:$0x3FC6] =	sst s2  }
0x8f: {  	_ = 	snop  }
0x90: {  	s2 =	sld [smem:$0x3FC8]  }
0x91: {  	s18 =	sld [smem:$0x3FD0];
	(tm) =	ssettm $0x1  }
0x92: {  	s4 =	sld [smem:$0x3FFB];
	_ =	sdelay $0x3  }
0x93: {  	_ =	strace s4  }
0x94: {  	s4 =	sld [smem:$0x3FFC];
	_ =	sdelay $0x3  }
0x95: {  	_ =	strace s4  }
0x96: {  	s4 =	sld [smem:$0x3FFD];
	_ =	sdelay $0x3  }
0x97: {  	_ =	strace s4  }
0x98: {  	_ =	strace $0x8FFFFFFF  }
0x99: {  	s19 =	sld [smem:$0x3FDB];
	_ =	sdelay $0x1  }
0x9a: {  	s5 =	simm.s32 $_scs_section_size  }
0x9b: {  	s6 =	simm.s32 $_size__tile_overlayer_lowered;
	s7 =	simm.s32 $_tile_overlayer_lowered  }
0x9c: {  	s22 =	simm.s32 $0x1BFF;
	s21 =	sshll.u32 s7, $0x1;
	s4 =	sadd.s32 s5, s19  }
0x9d: {  	s8 =	simm.s32 $0x0;
	s20 =	sshll.u32 s6, $0x1;
	s6 =	sadd.s32 s21, s4  }
0x9e: {  	[timem:s8], [sflag:s22] =	dma.local [hbm:s6], s20  }
0x9f: {  	_ =	swait.ge [sflag:s22], s20  }
0xa0: {  	s5 =	ssub.s32 $0x0, s20;
	[sflag:s22] =	ssyncset.done $0x0  }
0xa1: {  	[sflag:s22] =	ssyncadd.s32 s5;
	_ =	sdelay $0x1  }
0xa2: {  	s23 =	simm.s32 $0x1B8B  }
0xa3: {  	_ =	swait.ge [sflag:s23], $0x1  }
0xa4: {  	[sflag:s23] =	ssyncset.done $0x0  }
0xa5: {  	s25 =	simm.s32 $0x1B8E;
	s24 =	sld [smem:$0x3FFE];
	[sflag:s23] =	ssyncadd.s32 $0xFFFFFFFF  }
0xa6: {  	s26 =	simm.s32 $execute0_lowered;
	[smem:$0x3FD2] =	sst s25  }
0xa7: {  	s6 =	sshll.u32 s26, $0x1;
	_ =	strace $0x80000046;
	[dreg:$0x1] =	wrdreg $0xFFFFFFFF  }
0xa8: {  	s28 =	simm.s32 $_size_execute0_lowered;
	s4 =	sadd.s32 s4, s6;
	[dreg:$0x0] =	wrdreg $0x0  }
0xa9: {  	s6 =	sshll.u32 s28, $0x1;
	[dreg:$0x2] =	wrdreg s4  }
0xaa: {  	[dreg:$0x3] =	wrdreg s6  }
0xab: {  	[dreg:$0x4] =	wrdreg $0xC0  }
0xac: {  	_ =	task [dreg:s8], $0x5FFFF  }
0xad: {  	[dreg:$0x1] =	wrdreg $0xFFFFFFFF  }
0xae: {  	[dreg:$0x0] =	wrdreg $0x60  }
0xaf: {  	[dreg:$0x2] =	wrdreg s2  }
0xb0: {  	[dreg:$0x3] =	wrdreg s24  }
0xb1: {  	[dreg:$0x4] =	wrdreg s18  }
0xb2: {  	[dreg:$0x5] =	wrdreg $0x9  }
0xb3: {  	_ =	task.clear_ibuf [dreg:s8], $0x6FFFF;
	_ =	strace $0x90000046  }
0xb4: {  	s29 =	simm.s32 $0x9;
	_ =	strace $0x80000048  }
0xb5: {  	_ =	swait.ge [sflag:s29], $0x1  }
0xb6: {  	[sflag:s29] =	ssyncadd.s32 $0xFFFFFFFF  }
0xb7: {  	_ =	strace $0x90000048  }
0xb8: {  	_ =	sfence  }
0xb9: {  	s30 =	sld [smem:$0x0];
	_ =	sdelay $0x2  }
0xba: {  	s31 =	sshll.u32 s1, $0xD;
	s1 =	sshrl.u32 s1, $0x2  }
0xbb: {  	s3 =	sand.u32 $0x4000, s31;
	s1 =	sadd.s32 s1, s30  }
0xbc: {  	s0 =	sor.u32 s3, s0;
	s1 =	sshll.u32 s1, $0x11  }
0xbd: {  	s0 =	sor.u32 s1, s0  }
0xbe: {  	s0 =	sadd.s32 $0x8F2B, s0  }
0xbf: {  	[sflag:s0] =	ssyncadd.remote.s32 $0x1  }
0xc0: {  	_ =	sfence.sel $0xFFFF  }
0xc1: {  	[dreg:$0x0] =	wrdreg $0xFFFFFFFF;
	(pc) =	sbr.abs _section_cstart, $3  }
0xc2: {  	[dreg:$0x1] =	wrdreg $0xFFFFFFFF  }
0xc3: {  	_ =	task.clear_ibuf [dreg:s8], $0x2FFFF;
	_ =	strace $0x9FFFFFFF  }
0xc4: {  	(tm) =	ssettm $0x7FFFFFFF  }
0xc5: {  	_ =	shalt  }
tec
execute0_lowered:
.L_overlay_start_1:
0x0: {  	(tag) =	ssettag $0x1  }
0x1: {  	s12 =	rddreg [dreg:$0x0]  }
0x2: {  	s0 =	rddreg [dreg:$0x1]  }
0x3: {  	s1 =	rddreg [dreg:$0x2];
	s10 =	stileid.u32;
	s3 =	simm.s32 $0x0  }
0x4: {  	s4 =	srdreg.scid;
	s28 =	simm.s32 $0xB000;
	s29 =	simm.s32 $0xB800  }
0x5: {  	s30 =	simm.s32 $0xC000;
	s14 =	simm.s32 $0xE000;
	s13 =	simm.s32 $0x10000  }
0x6: {  	s11 =	simm.s32 $0x11000;
	s15 =	simm.s32 $0x2400;
	s5 =	sshll.u32 s10, $0x1  }
0x7: {  	s7 =	sshrl.u32 s10, $0x1;
	s4 =	sand.u32 $0x1, s4;
	[smem:$0x7FF] =	sst s3  }
0x8: {  	s10 =	sand.u32 $0x1, s10;
	s5 =	sand.u32 $0x2, s5;
	s6 =	sshll.u32 s7, $0xA  }
0x9: {  	s16 =	ssub.s32 $0x2, s4;
	_ =	strace $0x80000047;
	s18 =	sshll.u32 s7, $0x16  }
0xa: {  	s7 =	sshll.u32 s7, $0x13;
	s10 =	sshll.u32 s10, $0x8;
	s8 =	sor.u32 s4, s5  }
0xb: {  	s0 =	sadd.s32 s6, s0;
	s9 =	sshrl.u32 s16, $0x1;
	s5 =	sadd.s32 $0x100, s12  }
0xc: {  	s6 =	sadd.s32 $0x200, s12;
	s4 =	sshll.u32 s4, $0x7;
	s17 =	sshll.u32 s8, $0xD  }
0xd: {  	s9 =	ssub.s32 s16, s9;
	s8 =	sshll.u32 s8, $0x4;
	s16 =	simm.s32 $0x2C00  }
0xe: {  	s0 =	sadd.s32 s17, s0;
	s8 =	sor.u32 s7, s8;
	s31 =	smax.u32 s9, $0x1  }
0xf: {  	s0 =	sadd.s32 $0x400, s0;
	s8 =	sadd.s32 s8, s1;
	[dreg:$0xd] =	wrdreg s31  }
0x10: {  	s7 =	sadd.s32 $0x300, s12;
	[dreg:$0x8] =	wrdreg s0;
	s19 =	sadd.s32 $0x78000, s8  }
0x11: {  	s9 =	simm.s32 $0x11800;
	s20 =	sadd.s32 $0x7A000, s8;
	[dreg:$0x9] =	wrdreg s19  }
0x12: {  	s17 =	simm.s32 $0x3400;
	s22 =	sadd.s32 $0x7C000, s8;
	[dreg:$0xa] =	wrdreg s20  }
0x13: {  	s0 =	sor.u32 s10, s18;
	s8 =	sadd.s32 $0x7E000, s8;
	[dreg:$0xb] =	wrdreg s22  }
0x14: {  	s18 =	simm.s32 $0xF800;
	s0 =	sor.u32 s4, s0;
	[dreg:$0xc] =	wrdreg s8  }
0x15: {  	s20 =	simm.s32 $0xE800;
	s19 =	simm.s32 $0xF000;
	s8 =	simm.s32 $0x1  }
0x16: {  	s22 =	simm.s32 $0x1000;
	s21 =	sshrl.u32 s0, $0x3;
	s23 =	sor.u32 $0x10000, s0  }
0x17: {  	s25 =	sor.u32 $0x20000, s0;
	s0 =	sor.u32 $0x30000, s0;
	s4 =	sadd.s32 s21, s1  }
0x18: {  	s24 =	sshrl.u32 s23, $0x3;
	s10 =	sshrl.u32 s25, $0x3;
	s0 =	sshrl.u32 s0, $0x3  }
0x19: {  	s25 =	simm.s32 $0xA000;
	s23 =	simm.s32 $0xD800;
	s21 =	simm.s32 $0x80  }
0x1a: {  	[dreg:$0x4] =	wrdreg s4;
	s4 =	sadd.s32 s24, s1;
	s26 =	sadd.s32 s10, s1  }
0x1b: {  	v2 =	vlaneseq.u32;
	s0 =	sadd.s32 s0, s1;
	s24 =	simm.s32 $0xD000;
	[dreg:$0x5] =	wrdreg s4  }
0x1c: {  	vm0 =	vmmov $0xffff;
	v1 =	vshrl.u32 v2, $0x3;
	s10 =	simm.s32 $0x10800;
	s1 =	simm.s32 $0x0;
	[dreg:$0x6] =	wrdreg s26  }
0x1d: {  	v0 =	vand.u32 $0x7, v2;
	v2 =	vor.u32 $0x8, v2;
	v1 =	vmul.u32 $0x8, v1;
	[dreg:$0x7] =	wrdreg s0;
	s26 =	simm.s32 $0xA800;
	s4 =	simm.s32 $0xC800  }
.LBB2_1:
0x1e: {  	[dreg:$0xe] =	wrdreg s1  }
0x1f: {  	s0 =	rddreg [dreg:$0x8];
	s2 =	simm.s32 $0x9  }
0x20: {  	[tilespmem:s3], [sflag:$0x9] =	stream.linear.gather [hbm4b:s0+s3], $0x2000, $0x38;
	[tilespmem:$0x12000] =	vst v63  }
0x21: {  	_ =	swait.ge [sflag:s2], $0x2000  }
0x22: {  	[sflag:s2] =	ssyncset.done $0x0  }
0x23: {  	[sflag:s2] =	ssyncadd.s32 $0xFFFFE000  }
0x24: {  	v3 =	vld [tilespmem:$0x0];
	_ =	sdelay $0x4  }
0x25: {  	v4 =	vshll.u32 v3, $0x3  }
0x26: {  	v3 =	vand.u32 $0x7, v3;
	v4 =	vand.u32 $0xFFFFFFC0, v4  }
0x27: {  	v3 =	vor.u32 v3, v4  }
0x28: {  	v4 =	vperm.xlane v3, v0;
	_ =	sdelay $0x1  }
0x29: {  	v4 =	vadd.s32 v1, v4;
	_ =	sdelay $0x3  }
0x2a: {  	s1 =	simm.s32 $0x2000  }
0x2b: {  	[tilespmem:s1], [sflag:$0x1] =	stream.indirect_vreg.gather [hbm4b:s12+s3], $0x80, v4, vm0, $0xb8;
	[tilespmem:$0x12000] =	vst v63  }
0x2c: {  	s2 =	simm.s32 $0x2800;
	v3 =	vperm.xlane v3, v2  }
0x2d: {  	[tilespmem:s2], [sflag:$0x1] =	stream.indirect_vreg.gather [hbm4b:s5+s3], $0x80, v4, vm0, $0xb8;
	[tilespmem:$0x12000] =	vst v63  }
0x2e: {  	v3 =	vadd.s32 v1, v3;
	s1 =	simm.s32 $0x3000  }
0x2f: {  	[tilespmem:s1], [sflag:$0x1] =	stream.indirect_vreg.gather [hbm4b:s6+s3], $0x80, v4, vm0, $0xb8;
	[tilespmem:$0x12000] =	vst v63  }
0x30: {  	s2 =	simm.s32 $0x3800  }
0x31: {  	[tilespmem:s2], [sflag:$0x1] =	stream.indirect_vreg.gather [hbm4b:s7+s3], $0x80, v4, vm0, $0xb8;
	[tilespmem:$0x12000] =	vst v63  }
0x32: {  	s1 =	simm.s32 $0x4000  }
0x33: {  	[tilespmem:s1], [sflag:$0x1] =	stream.indirect_vreg.gather [hbm4b:s12+s3], $0x80, v3, vm0, $0xb8;
	[tilespmem:$0x12000] =	vst v63  }
0x34: {  	s2 =	simm.s32 $0x4800  }
0x35: {  	[tilespmem:s2], [sflag:$0x1] =	stream.indirect_vreg.gather [hbm4b:s5+s3], $0x80, v3, vm0, $0xb8;
	[tilespmem:$0x12000] =	vst v63  }
0x36: {  	s1 =	simm.s32 $0x5000  }
0x37: {  	[tilespmem:s1], [sflag:$0x1] =	stream.indirect_vreg.gather [hbm4b:s6+s3], $0x80, v3, vm0, $0xb8;
	[tilespmem:$0x12000] =	vst v63  }
0x38: {  	s2 =	simm.s32 $0x5800  }
0x39: {  	[tilespmem:s2], [sflag:$0x1] =	stream.indirect_vreg.gather [hbm4b:s7+s3], $0x80, v3, vm0, $0xb8;
	[tilespmem:$0x12000] =	vst v63  }
0x3a: {  	v3 =	vld [tilespmem:$0x80];
	_ =	sdelay $0x4  }
0x3b: {  	v61 =	vshll.u32 v3, $0x3  }
0x3c: {  	v3 =	vand.u32 $0x7, v3;
	v4 =	vand.u32 $0xFFFFFFC0, v61  }
0x3d: {  	v3 =	vor.u32 v3, v4  }
0x3e: {  	v4 =	vperm.xlane v3, v0;
	_ =	sdelay $0x1  }
0x3f: {  	v4 =	vadd.s32 v1, v4;
	_ =	sdelay $0x3  }
0x40: {  	s1 =	simm.s32 $0x6000  }
0x41: {  	[tilespmem:s1], [sflag:$0x2] =	stream.indirect_vreg.gather [hbm4b:s12+s3], $0x80, v4, vm0, $0xb8;
	[tilespmem:$0x12000] =	vst v63  }
0x42: {  	s2 =	simm.s32 $0x6800;
	v3 =	vperm.xlane v3, v2  }
0x43: {  	[tilespmem:s2], [sflag:$0x2] =	stream.indirect_vreg.gather [hbm4b:s5+s3], $0x80, v4, vm0, $0xb8;
	[tilespmem:$0x12000] =	vst v63  }
0x44: {  	v3 =	vadd.s32 v1, v3;
	s1 =	simm.s32 $0x7000  }
0x45: {  	[tilespmem:s1], [sflag:$0x2] =	stream.indirect_vreg.gather [hbm4b:s6+s3], $0x80, v4, vm0, $0xb8;
	[tilespmem:$0x12000] =	vst v63  }
0x46: {  	s2 =	simm.s32 $0x7800  }
0x47: {  	[tilespmem:s2], [sflag:$0x2] =	stream.indirect_vreg.gather [hbm4b:s7+s3], $0x80, v4, vm0, $0xb8;
	[tilespmem:$0x12000] =	vst v63  }
0x48: {  	s1 =	simm.s32 $0x8000  }
0x49: {  	[tilespmem:s1], [sflag:$0x2] =	stream.indirect_vreg.gather [hbm4b:s12+s3], $0x80, v3, vm0, $0xb8;
	[tilespmem:$0x12000] =	vst v63  }
0x4a: {  	s2 =	simm.s32 $0x8800  }
0x4b: {  	[tilespmem:s2], [sflag:$0x2] =	stream.indirect_vreg.gather [hbm4b:s5+s3], $0x80, v3, vm0, $0xb8;
	[tilespmem:$0x12000] =	vst v63  }
0x4c: {  	s1 =	simm.s32 $0x9000  }
0x4d: {  	[tilespmem:s1], [sflag:$0x2] =	stream.indirect_vreg.gather [hbm4b:s6+s3], $0x80, v3, vm0, $0xb8;
	[tilespmem:$0x12000] =	vst v63  }
0x4e: {  	s2 =	simm.s32 $0x9800  }
0x4f: {  	[tilespmem:s2], [sflag:$0x2] =	stream.indirect_vreg.gather [hbm4b:s7+s3], $0x80, v3, vm0, $0xb8;
	[tilespmem:$0x12000] =	vst v63  }
0x50: {  	v3 =	vld [tilespmem:$0x100];
	_ =	sdelay $0x4  }
0x51: {  	v62 =	vshll.u32 v3, $0x3  }
0x52: {  	v3 =	vand.u32 $0x7, v3;
	v4 =	vand.u32 $0xFFFFFFC0, v62  }
0x53: {  	v3 =	vor.u32 v3, v4  }
0x54: {  	v4 =	vperm.xlane v3, v0;
	_ =	sdelay $0x1  }
0x55: {  	v4 =	vadd.s32 v1, v4;
	_ =	sdelay $0x4  }
0x56: {  	[tilespmem:s25], [sflag:$0x3] =	stream.indirect_vreg.gather [hbm4b:s12+s3], $0x80, v4, vm0, $0xb8;
	[tilespmem:$0x12000] =	vst v63  }
0x57: {  	v3 =	vperm.xlane v3, v2  }
0x58: {  	[tilespmem:s26], [sflag:$0x3] =	stream.indirect_vreg.gather [hbm4b:s5+s3], $0x80, v4, vm0, $0xb8;
	[tilespmem:$0x12000] =	vst v63  }
0x59: {  	v3 =	vadd.s32 v1, v3  }
0x5a: {  	[tilespmem:s28], [sflag:$0x3] =	stream.indirect_vreg.gather [hbm4b:s6+s3], $0x80, v4, vm0, $0xb8;
	[tilespmem:$0x12000] =	vst v63  }
0x5b: {  	_ = 	snop  }
0x5c: {  	[tilespmem:s29], [sflag:$0x3] =	stream.indirect_vreg.gather [hbm4b:s7+s3], $0x80, v4, vm0, $0xb8;
	[tilespmem:$0x12000] =	vst v63  }
0x5d: {  	_ = 	snop  }
0x5e: {  	[tilespmem:s30], [sflag:$0x3] =	stream.indirect_vreg.gather [hbm4b:s12+s3], $0x80, v3, vm0, $0xb8;
	[tilespmem:$0x12000] =	vst v63  }
0x5f: {  	_ = 	snop  }
0x60: {  	[tilespmem:s4], [sflag:$0x3] =	stream.indirect_vreg.gather [hbm4b:s5+s3], $0x80, v3, vm0, $0xb8;
	[tilespmem:$0x12000] =	vst v63  }
0x61: {  	_ = 	snop  }
0x62: {  	[tilespmem:s24], [sflag:$0x3] =	stream.indirect_vreg.gather [hbm4b:s6+s3], $0x80, v3, vm0, $0xb8;
	[tilespmem:$0x12000] =	vst v63  }
0x63: {  	_ = 	snop  }
0x64: {  	[tilespmem:s23], [sflag:$0x3] =	stream.indirect_vreg.gather [hbm4b:s7+s3], $0x80, v3, vm0, $0xb8;
	[tilespmem:$0x12000] =	vst v63  }
0x65: {  	v3 =	vld [tilespmem:$0x180];
	_ =	sdelay $0x4  }
0x66: {  	v63 =	vshll.u32 v3, $0x3  }
0x67: {  	v3 =	vand.u32 $0x7, v3;
	v4 =	vand.u32 $0xFFFFFFC0, v63  }
0x68: {  	v3 =	vor.u32 v3, v4  }
0x69: {  	v4 =	vperm.xlane v3, v0;
	_ =	sdelay $0x1  }
0x6a: {  	v4 =	vadd.s32 v1, v4;
	_ =	sdelay $0x4  }
0x6b: {  	[tilespmem:s14], [sflag:$0x4] =	stream.indirect_vreg.gather [hbm4b:s12+s3], $0x80, v4, vm0, $0xb8;
	[tilespmem:$0x12000] =	vst v63  }
0x6c: {  	v3 =	vperm.xlane v3, v2  }
0x6d: {  	[tilespmem:s20], [sflag:$0x4] =	stream.indirect_vreg.gather [hbm4b:s5+s3], $0x80, v4, vm0, $0xb8;
	[tilespmem:$0x12000] =	vst v63  }
0x6e: {  	v3 =	vadd.s32 v1, v3  }
0x6f: {  	[tilespmem:s19], [sflag:$0x4] =	stream.indirect_vreg.gather [hbm4b:s6+s3], $0x80, v4, vm0, $0xb8;
	[tilespmem:$0x12000] =	vst v63  }
0x70: {  	_ = 	snop  }
0x71: {  	[tilespmem:s18], [sflag:$0x4] =	stream.indirect_vreg.gather [hbm4b:s7+s3], $0x80, v4, vm0, $0xb8;
	[tilespmem:$0x12000] =	vst v63  }
0x72: {  	_ = 	snop  }
0x73: {  	[tilespmem:s13], [sflag:$0x4] =	stream.indirect_vreg.gather [hbm4b:s12+s3], $0x80, v3, vm0, $0xb8;
	[tilespmem:$0x12000] =	vst v63  }
0x74: {  	_ = 	snop  }
0x75: {  	[tilespmem:s10], [sflag:$0x4] =	stream.indirect_vreg.gather [hbm4b:s5+s3], $0x80, v3, vm0, $0xb8;
	[tilespmem:$0x12000] =	vst v63  }
0x76: {  	_ = 	snop  }
0x77: {  	[tilespmem:s11], [sflag:$0x4] =	stream.indirect_vreg.gather [hbm4b:s6+s3], $0x80, v3, vm0, $0xb8;
	[tilespmem:$0x12000] =	vst v63  }
0x78: {  	s31 =	simm.s32 $0x380;
	s0 =	simm.s32 $0x0  }
0x79: {  	[tilespmem:s9], [sflag:$0x4] =	stream.indirect_vreg.gather [hbm4b:s7+s3], $0x80, v3, vm0, $0xb8;
	[tilespmem:$0x12000] =	vst v63  }
.LBB2_2:
0x7a: {  	_ =	swait.ge [sflag:s8], $0x4000  }
0x7b: {  	s1 =	rddreg [dreg:$0x4];
	[sflag:s8] =	ssyncset.done $0x0  }
0x7c: {  	s2 =	simm.s32 $0x2000;
	[sflag:s8] =	ssyncadd.s32 $0xFFFFC000;
	s1 =	sadd.s32 s0, s1  }
0x7d: {  	[hbm4b:s1+s21] =	stream.strided.scatter [tilespmem:s2], [sflag:$0x5], $0x400, s22, s21, $0x38;
	[tilespmem:$0x12000] =	vst v63  }
0x7e: {  	s4 =	sadd.s32 $0x40, s1  }
0x7f: {  	[hbm4b:s4+s21] =	stream.strided.scatter [tilespmem:s15], [sflag:$0x5], $0x400, s22, s21, $0x38;
	[tilespmem:$0x12000] =	vst v63  }
0x80: {  	s18 =	simm.s32 $0x2800;
	s15 =	sadd.s32 $0x80, s1  }
0x81: {  	[hbm4b:s15+s21] =	stream.strided.scatter [tilespmem:s18], [sflag:$0x5], $0x400, s22, s21, $0x38;
	[tilespmem:$0x12000] =	vst v63  }
0x82: {  	s19 =	sadd.s32 $0xC0, s1  }
0x83: {  	[hbm4b:s19+s21] =	stream.strided.scatter [tilespmem:s16], [sflag:$0x5], $0x400, s22, s21, $0x38;
	[tilespmem:$0x12000] =	vst v63  }
0x84: {  	s23 =	simm.s32 $0x3000;
	s20 =	sadd.s32 $0x100, s1  }
0x85: {  	[hbm4b:s20+s21] =	stream.strided.scatter [tilespmem:s23], [sflag:$0x5], $0x400, s22, s21, $0x38;
	[tilespmem:$0x12000] =	vst v63  }
0x86: {  	s24 =	sadd.s32 $0x140, s1  }
0x87: {  	[hbm4b:s24+s21] =	stream.strided.scatter [tilespmem:s17], [sflag:$0x5], $0x400, s22, s21, $0x38;
	[tilespmem:$0x12000] =	vst v63  }
0x88: {  	s26 =	simm.s32 $0x3800;
	s25 =	sadd.s32 $0x180, s1  }
0x89: {  	[hbm4b:s25+s21] =	stream.strided.scatter [tilespmem:s26], [sflag:$0x5], $0x400, s22, s21, $0x38;
	[tilespmem:$0x12000] =	vst v63  }
0x8a: {  	s9 =	simm.s32 $0x3C00;
	s8 =	sadd.s32 $0x1C0, s1  }
0x8b: {  	[hbm4b:s8+s21] =	stream.strided.scatter [tilespmem:s9], [sflag:$0x5], $0x400, s22, s21, $0x38;
	[tilespmem:$0x12000] =	vst v63  }
0x8c: {  	s11 =	simm.s32 $0x4000;
	s10 =	sadd.s32 $0x1000, s1  }
0x8d: {  	[hbm4b:s10+s21] =	stream.strided.scatter [tilespmem:s11], [sflag:$0x5], $0x400, s22, s21, $0x38;
	[tilespmem:$0x12000] =	vst v63  }
0x8e: {  	s14 =	simm.s32 $0x4400;
	s13 =	sadd.s32 $0x1040, s1  }
0x8f: {  	[hbm4b:s13+s21] =	stream.strided.scatter [tilespmem:s14], [sflag:$0x5], $0x400, s22, s21, $0x38;
	[tilespmem:$0x12000] =	vst v63  }
0x90: {  	s15 =	sadd.s32 $0x1080, s1;
	s16 =	simm.s32 $0x4800  }
0x91: {  	[hbm4b:s15+s21] =	stream.strided.scatter [tilespmem:s16], [sflag:$0x5], $0x400, s22, s21, $0x38;
	[tilespmem:$0x12000] =	vst v63  }
0x92: {  	s18 =	simm.s32 $0x4C00;
	s17 =	sadd.s32 $0x10C0, s1  }
0x93: {  	[hbm4b:s17+s21] =	stream.strided.scatter [tilespmem:s18], [sflag:$0x5], $0x400, s22, s21, $0x38;
	[tilespmem:$0x12000] =	vst v63  }
0x94: {  	s19 =	sadd.s32 $0x1100, s1;
	s20 =	simm.s32 $0x5000  }
0x95: {  	[hbm4b:s19+s21] =	stream.strided.scatter [tilespmem:s20], [sflag:$0x5], $0x400, s22, s21, $0x38;
	[tilespmem:$0x12000] =	vst v63  }
0x96: {  	s23 =	sadd.s32 $0x1140, s1;
	s24 =	simm.s32 $0x5400  }
0x97: {  	[hbm4b:s23+s21] =	stream.strided.scatter [tilespmem:s24], [sflag:$0x5], $0x400, s22, s21, $0x38;
	[tilespmem:$0x12000] =	vst v63  }
0x98: {  	s25 =	sadd.s32 $0x1180, s1;
	s26 =	simm.s32 $0x5800  }
0x99: {  	[hbm4b:s25+s21] =	stream.strided.scatter [tilespmem:s26], [sflag:$0x5], $0x400, s22, s21, $0x38;
	[tilespmem:$0x12000] =	vst v63  }
0x9a: {  	s1 =	sadd.s32 $0x11C0, s1;
	s8 =	simm.s32 $0x5C00;
	s9 =	simm.s32 $0x2  }
0x9b: {  	[hbm4b:s1+s21] =	stream.strided.scatter [tilespmem:s8], [sflag:$0x5], $0x400, s22, s21, $0x38;
	[tilespmem:$0x12000] =	vst v63  }
0x9c: {  	_ =	swait.ge [sflag:s9], $0x4000  }
0x9d: {  	s10 =	rddreg [dreg:$0x5];
	[sflag:s9] =	ssyncset.done $0x0  }
0x9e: {  	s11 =	simm.s32 $0x6000;
	[sflag:s9] =	ssyncadd.s32 $0xFFFFC000;
	s1 =	sadd.s32 s0, s10  }
0x9f: {  	[hbm4b:s1+s21] =	stream.strided.scatter [tilespmem:s11], [sflag:$0x6], $0x400, s22, s21, $0x38;
	[tilespmem:$0x12000] =	vst v63  }
0xa0: {  	s14 =	simm.s32 $0x6400;
	s13 =	sadd.s32 $0x40, s1  }
0xa1: {  	[hbm4b:s13+s21] =	stream.strided.scatter [tilespmem:s14], [sflag:$0x6], $0x400, s22, s21, $0x38;
	[tilespmem:$0x12000] =	vst v63  }
0xa2: {  	s16 =	simm.s32 $0x6800;
	s15 =	sadd.s32 $0x80, s1  }
0xa3: {  	[hbm4b:s15+s21] =	stream.strided.scatter [tilespmem:s16], [sflag:$0x6], $0x400, s22, s21, $0x38;
	[tilespmem:$0x12000] =	vst v63  }
0xa4: {  	s18 =	simm.s32 $0x6C00;
	s17 =	sadd.s32 $0xC0, s1  }
0xa5: {  	[hbm4b:s17+s21] =	stream.strided.scatter [tilespmem:s18], [sflag:$0x6], $0x400, s22, s21, $0x38;
	[tilespmem:$0x12000] =	vst v63  }
0xa6: {  	s20 =	simm.s32 $0x7000;
	s19 =	sadd.s32 $0x100, s1  }
0xa7: {  	[hbm4b:s19+s21] =	stream.strided.scatter [tilespmem:s20], [sflag:$0x6], $0x400, s22, s21, $0x38;
	[tilespmem:$0x12000] =	vst v63  }
0xa8: {  	s24 =	simm.s32 $0x7400;
	s23 =	sadd.s32 $0x140, s1  }
0xa9: {  	[hbm4b:s23+s21] =	stream.strided.scatter [tilespmem:s24], [sflag:$0x6], $0x400, s22, s21, $0x38;
	[tilespmem:$0x12000] =	vst v63  }
0xaa: {  	s26 =	simm.s32 $0x7800;
	s25 =	sadd.s32 $0x180, s1  }
0xab: {  	[hbm4b:s25+s21] =	stream.strided.scatter [tilespmem:s26], [sflag:$0x6], $0x400, s22, s21, $0x38;
	[tilespmem:$0x12000] =	vst v63  }
0xac: {  	s8 =	simm.s32 $0x7C00;
	s2 =	sadd.s32 $0x1C0, s1  }
0xad: {  	[hbm4b:s2+s21] =	stream.strided.scatter [tilespmem:s8], [sflag:$0x6], $0x400, s22, s21, $0x38;
	[tilespmem:$0x12000] =	vst v63  }
0xae: {  	s9 =	sadd.s32 $0x1000, s1;
	s20 =	simm.s32 $0x8000  }
0xaf: {  	[hbm4b:s9+s21] =	stream.strided.scatter [tilespmem:s20], [sflag:$0x6], $0x400, s22, s21, $0x38;
	[tilespmem:$0x12000] =	vst v63  }
0xb0: {  	s10 =	sadd.s32 $0x1040, s1;
	s11 =	simm.s32 $0x8400  }
0xb1: {  	[hbm4b:s10+s21] =	stream.strided.scatter [tilespmem:s11], [sflag:$0x6], $0x400, s22, s21, $0x38;
	[tilespmem:$0x12000] =	vst v63  }
0xb2: {  	s13 =	sadd.s32 $0x1080, s1;
	s23 =	simm.s32 $0x8800  }
0xb3: {  	[hbm4b:s13+s21] =	stream.strided.scatter [tilespmem:s23], [sflag:$0x6], $0x400, s22, s21, $0x38;
	[tilespmem:$0x12000] =	vst v63  }
0xb4: {  	s14 =	sadd.s32 $0x10C0, s1;
	s15 =	simm.s32 $0x8C00  }
0xb5: {  	[hbm4b:s14+s21] =	stream.strided.scatter [tilespmem:s15], [sflag:$0x6], $0x400, s22, s21, $0x38;
	[tilespmem:$0x12000] =	vst v63  }
0xb6: {  	s16 =	sadd.s32 $0x1100, s1;
	s24 =	simm.s32 $0x9000  }
0xb7: {  	[hbm4b:s16+s21] =	stream.strided.scatter [tilespmem:s24], [sflag:$0x6], $0x400, s22, s21, $0x38;
	[tilespmem:$0x12000] =	vst v63  }
0xb8: {  	s17 =	sadd.s32 $0x1140, s1;
	s18 =	simm.s32 $0x9400  }
0xb9: {  	[hbm4b:s17+s21] =	stream.strided.scatter [tilespmem:s18], [sflag:$0x6], $0x400, s22, s21, $0x38;
	[tilespmem:$0x12000] =	vst v63  }
0xba: {  	s19 =	sadd.s32 $0x1180, s1;
	s25 =	simm.s32 $0x9800  }
0xbb: {  	[hbm4b:s19+s21] =	stream.strided.scatter [tilespmem:s25], [sflag:$0x6], $0x400, s22, s21, $0x38;
	[tilespmem:$0x12000] =	vst v63  }
0xbc: {  	s1 =	sadd.s32 $0x11C0, s1;
	s26 =	simm.s32 $0x9C00  }
0xbd: {  	[hbm4b:s1+s21] =	stream.strided.scatter [tilespmem:s26], [sflag:$0x6], $0x400, s22, s21, $0x38;
	[tilespmem:$0x12000] =	vst v63  }
0xbe: {  	s1 =	simm.s32 $0x3  }
0xbf: {  	_ =	swait.ge [sflag:s1], $0x4000  }
0xc0: {  	s4 =	rddreg [dreg:$0x6];
	[sflag:s1] =	ssyncset.done $0x0  }
0xc1: {  	s26 =	simm.s32 $0xA000;
	[sflag:s1] =	ssyncadd.s32 $0xFFFFC000;
	s1 =	sadd.s32 s0, s4  }
0xc2: {  	[hbm4b:s1+s21] =	stream.strided.scatter [tilespmem:s26], [sflag:$0x7], $0x400, s22, s21, $0x38;
	[tilespmem:$0x12000] =	vst v63  }
0xc3: {  	s9 =	simm.s32 $0xA400;
	s8 =	sadd.s32 $0x40, s1  }
0xc4: {  	[hbm4b:s8+s21] =	stream.strided.scatter [tilespmem:s9], [sflag:$0x7], $0x400, s22, s21, $0x38;
	[tilespmem:$0x12000] =	vst v63  }
0xc5: {  	s28 =	simm.s32 $0xA800;
	s10 =	sadd.s32 $0x80, s1  }
0xc6: {  	[hbm4b:s10+s21] =	stream.strided.scatter [tilespmem:s28], [sflag:$0x7], $0x400, s22, s21, $0x38;
	[tilespmem:$0x12000] =	vst v63  }
0xc7: {  	s13 =	simm.s32 $0xAC00;
	s11 =	sadd.s32 $0xC0, s1  }
0xc8: {  	[hbm4b:s11+s21] =	stream.strided.scatter [tilespmem:s13], [sflag:$0x7], $0x400, s22, s21, $0x38;
	[tilespmem:$0x12000] =	vst v63  }
0xc9: {  	s29 =	simm.s32 $0xB000;
	s14 =	sadd.s32 $0x100, s1  }
0xca: {  	[hbm4b:s14+s21] =	stream.strided.scatter [tilespmem:s29], [sflag:$0x7], $0x400, s22, s21, $0x38;
	[tilespmem:$0x12000] =	vst v63  }
0xcb: {  	s16 =	simm.s32 $0xB400;
	s15 =	sadd.s32 $0x140, s1  }
0xcc: {  	[hbm4b:s15+s21] =	stream.strided.scatter [tilespmem:s16], [sflag:$0x7], $0x400, s22, s21, $0x38;
	[tilespmem:$0x12000] =	vst v63  }
0xcd: {  	s30 =	simm.s32 $0xB800;
	s17 =	sadd.s32 $0x180, s1  }
0xce: {  	[hbm4b:s17+s21] =	stream.strided.scatter [tilespmem:s30], [sflag:$0x7], $0x400, s22, s21, $0x38;
	[tilespmem:$0x12000] =	vst v63  }
0xcf: {  	s19 =	simm.s32 $0xBC00;
	s18 =	sadd.s32 $0x1C0, s1  }
0xd0: {  	[hbm4b:s18+s21] =	stream.strided.scatter [tilespmem:s19], [sflag:$0x7], $0x400, s22, s21, $0x38;
	[tilespmem:$0x12000] =	vst v63  }
0xd1: {  	s2 =	sadd.s32 $0x1000, s1;
	s19 =	simm.s32 $0xC000  }
0xd2: {  	[hbm4b:s2+s21] =	stream.strided.scatter [tilespmem:s19], [sflag:$0x7], $0x400, s22, s21, $0x38;
	[tilespmem:$0x12000] =	vst v63  }
0xd3: {  	s8 =	sadd.s32 $0x1040, s1;
	s9 =	simm.s32 $0xC400  }
0xd4: {  	[hbm4b:s8+s21] =	stream.strided.scatter [tilespmem:s9], [sflag:$0x7], $0x400, s22, s21, $0x38;
	[tilespmem:$0x12000] =	vst v63  }
0xd5: {  	s10 =	sadd.s32 $0x1080, s1;
	s18 =	simm.s32 $0xC800  }
0xd6: {  	[hbm4b:s10+s21] =	stream.strided.scatter [tilespmem:s18], [sflag:$0x7], $0x400, s22, s21, $0x38;
	[tilespmem:$0x12000] =	vst v63  }
0xd7: {  	s11 =	sadd.s32 $0x10C0, s1;
	s13 =	simm.s32 $0xCC00  }
0xd8: {  	[hbm4b:s11+s21] =	stream.strided.scatter [tilespmem:s13], [sflag:$0x7], $0x400, s22, s21, $0x38;
	[tilespmem:$0x12000] =	vst v63  }
0xd9: {  	s14 =	sadd.s32 $0x1100, s1;
	s17 =	simm.s32 $0xD000  }
0xda: {  	[hbm4b:s14+s21] =	stream.strided.scatter [tilespmem:s17], [sflag:$0x7], $0x400, s22, s21, $0x38;
	[tilespmem:$0x12000] =	vst v63  }
0xdb: {  	s15 =	sadd.s32 $0x1140, s1;
	s16 =	simm.s32 $0xD400  }
0xdc: {  	[hbm4b:s15+s21] =	stream.strided.scatter [tilespmem:s16], [sflag:$0x7], $0x400, s22, s21, $0x38;
	[tilespmem:$0x12000] =	vst v63  }
0xdd: {  	s2 =	sadd.s32 $0x1180, s1;
	s14 =	simm.s32 $0xD800  }
0xde: {  	[hbm4b:s2+s21] =	stream.strided.scatter [tilespmem:s14], [sflag:$0x7], $0x400, s22, s21, $0x38;
	[tilespmem:$0x12000] =	vst v63  }
0xdf: {  	s4 =	simm.s32 $0xDC00;
	s1 =	sadd.s32 $0x11C0, s1;
	s8 =	simm.s32 $0x4  }
0xe0: {  	[hbm4b:s1+s21] =	stream.strided.scatter [tilespmem:s4], [sflag:$0x7], $0x400, s22, s21, $0x38;
	[tilespmem:$0x12000] =	vst v63  }
0xe1: {  	_ =	swait.ge [sflag:s8], $0x4000  }
0xe2: {  	s9 =	rddreg [dreg:$0x7];
	[sflag:s8] =	ssyncset.done $0x0  }
0xe3: {  	s16 =	simm.s32 $0xE000;
	[sflag:s8] =	ssyncadd.s32 $0xFFFFC000;
	s1 =	sadd.s32 s0, s9  }
0xe4: {  	[hbm4b:s1+s21] =	stream.strided.scatter [tilespmem:s16], [sflag:$0x8], $0x400, s22, s21, $0x38;
	[tilespmem:$0x12000] =	vst v63  }
0xe5: {  	s11 =	simm.s32 $0xE400;
	s10 =	sadd.s32 $0x40, s1  }
0xe6: {  	[hbm4b:s10+s21] =	stream.strided.scatter [tilespmem:s11], [sflag:$0x8], $0x400, s22, s21, $0x38;
	[tilespmem:$0x12000] =	vst v63  }
0xe7: {  	s15 =	simm.s32 $0xE800;
	s13 =	sadd.s32 $0x80, s1  }
0xe8: {  	[hbm4b:s13+s21] =	stream.strided.scatter [tilespmem:s15], [sflag:$0x8], $0x400, s22, s21, $0x38;
	[tilespmem:$0x12000] =	vst v63  }
0xe9: {  	s8 =	simm.s32 $0xEC00;
	s2 =	sadd.s32 $0xC0, s1  }
0xea: {  	[hbm4b:s2+s21] =	stream.strided.scatter [tilespmem:s8], [sflag:$0x8], $0x400, s22, s21, $0x38;
	[tilespmem:$0x12000] =	vst v63  }
0xeb: {  	s9 =	sadd.s32 $0x100, s1;
	s13 =	simm.s32 $0xF000  }
0xec: {  	[hbm4b:s9+s21] =	stream.strided.scatter [tilespmem:s13], [sflag:$0x8], $0x400, s22, s21, $0x38;
	[tilespmem:$0x12000] =	vst v63  }
0xed: {  	s10 =	sadd.s32 $0x140, s1;
	s11 =	simm.s32 $0xF400  }
0xee: {  	[hbm4b:s10+s21] =	stream.strided.scatter [tilespmem:s11], [sflag:$0x8], $0x400, s22, s21, $0x38;
	[tilespmem:$0x12000] =	vst v63  }
0xef: {  	s8 =	sadd.s32 $0x180, s1;
	s11 =	simm.s32 $0xF800  }
0xf0: {  	[hbm4b:s8+s21] =	stream.strided.scatter [tilespmem:s11], [sflag:$0x8], $0x400, s22, s21, $0x38;
	[tilespmem:$0x12000] =	vst v63  }
0xf1: {  	s9 =	sadd.s32 $0x1C0, s1;
	s10 =	simm.s32 $0xFC00  }
0xf2: {  	[hbm4b:s9+s21] =	stream.strided.scatter [tilespmem:s10], [sflag:$0x8], $0x400, s22, s21, $0x38;
	[tilespmem:$0x12000] =	vst v63  }
0xf3: {  	s2 =	sadd.s32 $0x1000, s1;
	s10 =	simm.s32 $0x10000  }
0xf4: {  	[hbm4b:s2+s21] =	stream.strided.scatter [tilespmem:s10], [sflag:$0x8], $0x400, s22, s21, $0x38;
	[tilespmem:$0x12000] =	vst v63  }
0xf5: {  	s8 =	sadd.s32 $0x1040, s1;
	s9 =	simm.s32 $0x10400  }
0xf6: {  	[hbm4b:s8+s21] =	stream.strided.scatter [tilespmem:s9], [sflag:$0x8], $0x400, s22, s21, $0x38;
	[tilespmem:$0x12000] =	vst v63  }
0xf7: {  	s8 =	sadd.s32 $0x1080, s1;
	s9 =	simm.s32 $0x10800  }
0xf8: {  	[hbm4b:s8+s21] =	stream.strided.scatter [tilespmem:s9], [sflag:$0x8], $0x400, s22, s21, $0x38;
	[tilespmem:$0x12000] =	vst v63  }
0xf9: {  	s2 =	sadd.s32 $0x10C0, s1;
	s8 =	simm.s32 $0x10C00  }
0xfa: {  	[hbm4b:s2+s21] =	stream.strided.scatter [tilespmem:s8], [sflag:$0x8], $0x400, s22, s21, $0x38;
	[tilespmem:$0x12000] =	vst v63  }
0xfb: {  	s2 =	sadd.s32 $0x1100, s1;
	s8 =	simm.s32 $0x11000  }
0xfc: {  	[hbm4b:s2+s21] =	stream.strided.scatter [tilespmem:s8], [sflag:$0x8], $0x400, s22, s21, $0x38;
	[tilespmem:$0x12000] =	vst v63  }
0xfd: {  	s4 =	sadd.s32 $0x1140, s1;
	s2 =	simm.s32 $0x11400  }
0xfe: {  	[hbm4b:s4+s21] =	stream.strided.scatter [tilespmem:s2], [sflag:$0x8], $0x400, s22, s21, $0x38;
	[tilespmem:$0x12000] =	vst v63  }
0xff: {  	s4 =	sadd.s32 $0x1180, s1;
	s2 =	simm.s32 $0x11800  }
0x100: {  	[hbm4b:s4+s21] =	stream.strided.scatter [tilespmem:s2], [sflag:$0x8], $0x400, s22, s21, $0x38;
	[tilespmem:$0x12000] =	vst v63  }
0x101: {  	s1 =	sadd.s32 $0x11C0, s1;
	s4 =	simm.s32 $0x11C00  }
0x102: {  	[hbm4b:s1+s21] =	stream.strided.scatter [tilespmem:s4], [sflag:$0x8], $0x400, s22, s21, $0x38;
	[tilespmem:$0x12000] =	vst v63  }
0x103: {  	s4 =	simm.s32 $0x5  }
0x104: {  	_ =	swait.ge [sflag:s4], $0x4000  }
0x105: {  	[sflag:s4] =	ssyncset.done $0x0  }
0x106: {  	[sflag:s4] =	ssyncadd.s32 $0xFFFFC000  }
0x107: {  	v3 =	vld [tilespmem:s31+$0xFFFFFE80];
	_ =	sdelay $0x4  }
0x108: {  	v4 =	vshll.u32 v3, $0x3  }
0x109: {  	v3 =	vand.u32 $0x7, v3;
	v4 =	vand.u32 $0xFFFFFFC0, v4  }
0x10a: {  	v3 =	vor.u32 v3, v4  }
0x10b: {  	v4 =	vperm.xlane v3, v0;
	_ =	sdelay $0x1  }
0x10c: {  	v4 =	vadd.s32 v1, v4;
	_ =	sdelay $0x3  }
0x10d: {  	s4 =	simm.s32 $0x2000  }
0x10e: {  	[tilespmem:s4], [sflag:$0x1] =	stream.indirect_vreg.gather [hbm4b:s12+s3], $0x80, v4, vm0, $0xb8;
	[tilespmem:$0x12000] =	vst v63  }
0x10f: {  	v3 =	vperm.xlane v3, v2;
	s4 =	simm.s32 $0x2800  }
0x110: {  	[tilespmem:s4], [sflag:$0x1] =	stream.indirect_vreg.gather [hbm4b:s5+s3], $0x80, v4, vm0, $0xb8;
	[tilespmem:$0x12000] =	vst v63  }
0x111: {  	v3 =	vadd.s32 v1, v3;
	s4 =	simm.s32 $0x3000  }
0x112: {  	[tilespmem:s4], [sflag:$0x1] =	stream.indirect_vreg.gather [hbm4b:s6+s3], $0x80, v4, vm0, $0xb8;
	[tilespmem:$0x12000] =	vst v63  }
0x113: {  	s4 =	simm.s32 $0x3800  }
0x114: {  	[tilespmem:s4], [sflag:$0x1] =	stream.indirect_vreg.gather [hbm4b:s7+s3], $0x80, v4, vm0, $0xb8;
	[tilespmem:$0x12000] =	vst v63  }
0x115: {  	s4 =	simm.s32 $0x4000  }
0x116: {  	[tilespmem:s4], [sflag:$0x1] =	stream.indirect_vreg.gather [hbm4b:s12+s3], $0x80, v3, vm0, $0xb8;
	[tilespmem:$0x12000] =	vst v63  }
0x117: {  	s4 =	simm.s32 $0x4800  }
0x118: {  	[tilespmem:s4], [sflag:$0x1] =	stream.indirect_vreg.gather [hbm4b:s5+s3], $0x80, v3, vm0, $0xb8;
	[tilespmem:$0x12000] =	vst v63  }
0x119: {  	s4 =	simm.s32 $0x5000  }
0x11a: {  	[tilespmem:s4], [sflag:$0x1] =	stream.indirect_vreg.gather [hbm4b:s6+s3], $0x80, v3, vm0, $0xb8;
	[tilespmem:$0x12000] =	vst v63  }
0x11b: {  	s4 =	simm.s32 $0x5800  }
0x11c: {  	[tilespmem:s4], [sflag:$0x1] =	stream.indirect_vreg.gather [hbm4b:s7+s3], $0x80, v3, vm0, $0xb8;
	[tilespmem:$0x12000] =	vst v63  }
0x11d: {  	s4 =	simm.s32 $0x6  }
0x11e: {  	_ =	swait.ge [sflag:s4], $0x4000  }
0x11f: {  	[sflag:s4] =	ssyncset.done $0x0  }
0x120: {  	[sflag:s4] =	ssyncadd.s32 $0xFFFFC000  }
0x121: {  	v3 =	vld [tilespmem:s31+$0xFFFFFF00];
	_ =	sdelay $0x4  }
0x122: {  	v61 =	vshll.u32 v3, $0x3  }
0x123: {  	v3 =	vand.u32 $0x7, v3;
	v4 =	vand.u32 $0xFFFFFFC0, v61  }
0x124: {  	v3 =	vor.u32 v3, v4  }
0x125: {  	v4 =	vperm.xlane v3, v0;
	_ =	sdelay $0x1  }
0x126: {  	v4 =	vadd.s32 v1, v4;
	_ =	sdelay $0x3  }
0x127: {  	s4 =	simm.s32 $0x6000  }
0x128: {  	[tilespmem:s4], [sflag:$0x2] =	stream.indirect_vreg.gather [hbm4b:s12+s3], $0x80, v4, vm0, $0xb8;
	[tilespmem:$0x12000] =	vst v63  }
0x129: {  	v3 =	vperm.xlane v3, v2;
	s4 =	simm.s32 $0x6800  }
0x12a: {  	[tilespmem:s4], [sflag:$0x2] =	stream.indirect_vreg.gather [hbm4b:s5+s3], $0x80, v4, vm0, $0xb8;
	[tilespmem:$0x12000] =	vst v63  }
0x12b: {  	v3 =	vadd.s32 v1, v3;
	s4 =	simm.s32 $0x7000  }
0x12c: {  	[tilespmem:s4], [sflag:$0x2] =	stream.indirect_vreg.gather [hbm4b:s6+s3], $0x80, v4, vm0, $0xb8;
	[tilespmem:$0x12000] =	vst v63  }
0x12d: {  	s4 =	simm.s32 $0x7800  }
0x12e: {  	[tilespmem:s4], [sflag:$0x2] =	stream.indirect_vreg.gather [hbm4b:s7+s3], $0x80, v4, vm0, $0xb8;
	[tilespmem:$0x12000] =	vst v63  }
0x12f: {  	_ = 	snop  }
0x130: {  	[tilespmem:s20], [sflag:$0x2] =	stream.indirect_vreg.gather [hbm4b:s12+s3], $0x80, v3, vm0, $0xb8;
	[tilespmem:$0x12000] =	vst v63  }
0x131: {  	_ = 	snop  }
0x132: {  	[tilespmem:s23], [sflag:$0x2] =	stream.indirect_vreg.gather [hbm4b:s5+s3], $0x80, v3, vm0, $0xb8;
	[tilespmem:$0x12000] =	vst v63  }
0x133: {  	_ = 	snop  }
0x134: {  	[tilespmem:s24], [sflag:$0x2] =	stream.indirect_vreg.gather [hbm4b:s6+s3], $0x80, v3, vm0, $0xb8;
	[tilespmem:$0x12000] =	vst v63  }
0x135: {  	s4 =	simm.s32 $0x7  }
0x136: {  	[tilespmem:s25], [sflag:$0x2] =	stream.indirect_vreg.gather [hbm4b:s7+s3], $0x80, v3, vm0, $0xb8;
	[tilespmem:$0x12000] =	vst v63  }
0x137: {  	_ =	swait.ge [sflag:s4], $0x4000  }
0x138: {  	[sflag:s4] =	ssyncset.done $0x0  }
0x139: {  	[sflag:s4] =	ssyncadd.s32 $0xFFFFC000  }
0x13a: {  	v3 =	vld [tilespmem:s31+$0xFFFFFF80];
	_ =	sdelay $0x4  }
0x13b: {  	v62 =	vshll.u32 v3, $0x3  }
0x13c: {  	v3 =	vand.u32 $0x7, v3;
	v4 =	vand.u32 $0xFFFFFFC0, v62  }
0x13d: {  	v3 =	vor.u32 v3, v4  }
0x13e: {  	v4 =	vperm.xlane v3, v0;
	_ =	sdelay $0x1  }
0x13f: {  	v4 =	vadd.s32 v1, v4;
	_ =	sdelay $0x4  }
0x140: {  	[tilespmem:s26], [sflag:$0x3] =	stream.indirect_vreg.gather [hbm4b:s12+s3], $0x80, v4, vm0, $0xb8;
	[tilespmem:$0x12000] =	vst v63  }
0x141: {  	v3 =	vperm.xlane v3, v2  }
0x142: {  	[tilespmem:s28], [sflag:$0x3] =	stream.indirect_vreg.gather [hbm4b:s5+s3], $0x80, v4, vm0, $0xb8;
	[tilespmem:$0x12000] =	vst v63  }
0x143: {  	v3 =	vadd.s32 v1, v3  }
0x144: {  	[tilespmem:s29], [sflag:$0x3] =	stream.indirect_vreg.gather [hbm4b:s6+s3], $0x80, v4, vm0, $0xb8;
	[tilespmem:$0x12000] =	vst v63  }
0x145: {  	_ = 	snop  }
0x146: {  	[tilespmem:s30], [sflag:$0x3] =	stream.indirect_vreg.gather [hbm4b:s7+s3], $0x80, v4, vm0, $0xb8;
	[tilespmem:$0x12000] =	vst v63  }
0x147: {  	_ = 	snop  }
0x148: {  	[tilespmem:s19], [sflag:$0x3] =	stream.indirect_vreg.gather [hbm4b:s12+s3], $0x80, v3, vm0, $0xb8;
	[tilespmem:$0x12000] =	vst v63  }
0x149: {  	_ = 	snop  }
0x14a: {  	[tilespmem:s18], [sflag:$0x3] =	stream.indirect_vreg.gather [hbm4b:s5+s3], $0x80, v3, vm0, $0xb8;
	[tilespmem:$0x12000] =	vst v63  }
0x14b: {  	_ = 	snop  }
0x14c: {  	[tilespmem:s17], [sflag:$0x3] =	stream.indirect_vreg.gather [hbm4b:s6+s3], $0x80, v3, vm0, $0xb8;
	[tilespmem:$0x12000] =	vst v63  }
0x14d: {  	s20 =	simm.s32 $0x8  }
0x14e: {  	[tilespmem:s14], [sflag:$0x3] =	stream.indirect_vreg.gather [hbm4b:s7+s3], $0x80, v3, vm0, $0xb8;
	[tilespmem:$0x12000] =	vst v63  }
0x14f: {  	_ =	swait.ge [sflag:s20], $0x4000  }
0x150: {  	[sflag:s20] =	ssyncset.done $0x0  }
0x151: {  	[sflag:s20] =	ssyncadd.s32 $0xFFFFC000  }
0x152: {  	v3 =	vld [tilespmem:s31+$0x0];
	_ =	sdelay $0x4  }
0x153: {  	v63 =	vshll.u32 v3, $0x3  }
0x154: {  	v3 =	vand.u32 $0x7, v3;
	v4 =	vand.u32 $0xFFFFFFC0, v63  }
0x155: {  	v3 =	vor.u32 v3, v4  }
0x156: {  	v4 =	vperm.xlane v3, v0;
	_ =	sdelay $0x1  }
0x157: {  	v4 =	vadd.s32 v1, v4;
	_ =	sdelay $0x4  }
0x158: {  	[tilespmem:s16], [sflag:$0x4] =	stream.indirect_vreg.gather [hbm4b:s12+s3], $0x80, v4, vm0, $0xb8;
	[tilespmem:$0x12000] =	vst v63  }
0x159: {  	p0 =	sne.s32 s0, $0x70000;
	s0 =	sadd.s32 $0x8000, s0;
	s23 =	simm.s32 $0xD800;
	v3 =	vperm.xlane v3, v2  }
0x15a: {  	[tilespmem:s15], [sflag:$0x4] =	stream.indirect_vreg.gather [hbm4b:s5+s3], $0x80, v4, vm0, $0xb8;
	[tilespmem:$0x12000] =	vst v63  }
0x15b: {  	s24 =	simm.s32 $0xD000;
	s25 =	simm.s32 $0xA000;
	s4 =	simm.s32 $0xC800;
	v3 =	vadd.s32 v1, v3  }
0x15c: {  	[tilespmem:s13], [sflag:$0x4] =	stream.indirect_vreg.gather [hbm4b:s6+s3], $0x80, v4, vm0, $0xb8;
	[tilespmem:$0x12000] =	vst v63  }
0x15d: {  	s26 =	simm.s32 $0xA800;
	s28 =	simm.s32 $0xB000;
	s29 =	simm.s32 $0xB800  }
0x15e: {  	[tilespmem:s11], [sflag:$0x4] =	stream.indirect_vreg.gather [hbm4b:s7+s3], $0x80, v4, vm0, $0xb8;
	[tilespmem:$0x12000] =	vst v63  }
0x15f: {  	s30 =	simm.s32 $0xC000;
	s19 =	simm.s32 $0xF000;
	s18 =	simm.s32 $0xF800  }
0x160: {  	[tilespmem:s10], [sflag:$0x4] =	stream.indirect_vreg.gather [hbm4b:s12+s3], $0x80, v3, vm0, $0xb8;
	[tilespmem:$0x12000] =	vst v63  }
0x161: {  	s17 =	simm.s32 $0x3400;
	s14 =	simm.s32 $0xE000;
	s20 =	simm.s32 $0xE800  }
0x162: {  	[tilespmem:s9], [sflag:$0x4] =	stream.indirect_vreg.gather [hbm4b:s5+s3], $0x80, v3, vm0, $0xb8;
	[tilespmem:$0x12000] =	vst v63  }
.Ltmp0:
0x163: {  	s31 =	sadd.s32 $0x200, s31;
	s16 =	simm.s32 $0x2C00;
	(pc) =	sbr.rel @p0 .LBB2_2-.Ltmp0, $4  }
0x164: {  	s15 =	simm.s32 $0x2400;
	s13 =	simm.s32 $0x10000;
	s11 =	simm.s32 $0x11000  }
0x165: {  	[tilespmem:s8], [sflag:$0x4] =	stream.indirect_vreg.gather [hbm4b:s6+s3], $0x80, v3, vm0, $0xb8;
	[tilespmem:$0x12000] =	vst v63  }
0x166: {  	s10 =	simm.s32 $0x10800;
	s9 =	simm.s32 $0x11800;
	s8 =	simm.s32 $0x1  }
0x167: {  	[tilespmem:s2], [sflag:$0x4] =	stream.indirect_vreg.gather [hbm4b:s7+s3], $0x80, v3, vm0, $0xb8;
	[tilespmem:$0x12000] =	vst v63  }
0x168: {  	_ =	swait.ge [sflag:s8], $0x4000  }
0x169: {  	[sflag:s8] =	ssyncset.done $0x0  }
0x16a: {  	s0 =	simm.s32 $0x2000;
	s1 =	rddreg [dreg:$0x9];
	[sflag:s8] =	ssyncadd.s32 $0xFFFFC000  }
0x16b: {  	[hbm4b:s1+s21] =	stream.strided.scatter [tilespmem:s0], [sflag:$0x5], $0x400, s22, s21, $0x38;
	[tilespmem:$0x12000] =	vst v63  }
0x16c: {  	s2 =	sadd.s32 $0x40, s1  }
0x16d: {  	[hbm4b:s2+s21] =	stream.strided.scatter [tilespmem:s15], [sflag:$0x5], $0x400, s22, s21, $0x38;
	[tilespmem:$0x12000] =	vst v63  }
0x16e: {  	s31 =	sadd.s32 $0x80, s1;
	s2 =	simm.s32 $0x2800  }
0x16f: {  	[hbm4b:s31+s21] =	stream.strided.scatter [tilespmem:s2], [sflag:$0x5], $0x400, s22, s21, $0x38;
	[tilespmem:$0x12000] =	vst v63  }
0x170: {  	s31 =	sadd.s32 $0xC0, s1  }
0x171: {  	[hbm4b:s31+s21] =	stream.strided.scatter [tilespmem:s16], [sflag:$0x5], $0x400, s22, s21, $0x38;
	[tilespmem:$0x12000] =	vst v63  }
0x172: {  	s2 =	sadd.s32 $0x100, s1;
	s31 =	simm.s32 $0x3000  }
0x173: {  	[hbm4b:s2+s21] =	stream.strided.scatter [tilespmem:s31], [sflag:$0x5], $0x400, s22, s21, $0x38;
	[tilespmem:$0x12000] =	vst v63  }
0x174: {  	s31 =	sadd.s32 $0x140, s1  }
0x175: {  	[hbm4b:s31+s21] =	stream.strided.scatter [tilespmem:s17], [sflag:$0x5], $0x400, s22, s21, $0x38;
	[tilespmem:$0x12000] =	vst v63  }
0x176: {  	s2 =	sadd.s32 $0x180, s1;
	s31 =	simm.s32 $0x3800  }
0x177: {  	[hbm4b:s2+s21] =	stream.strided.scatter [tilespmem:s31], [sflag:$0x5], $0x400, s22, s21, $0x38;
	[tilespmem:$0x12000] =	vst v63  }
0x178: {  	s2 =	sadd.s32 $0x1C0, s1;
	s31 =	simm.s32 $0x3C00  }
0x179: {  	[hbm4b:s2+s21] =	stream.strided.scatter [tilespmem:s31], [sflag:$0x5], $0x400, s22, s21, $0x38;
	[tilespmem:$0x12000] =	vst v63  }
0x17a: {  	s2 =	sadd.s32 $0x1000, s1;
	s31 =	simm.s32 $0x4000  }
0x17b: {  	[hbm4b:s2+s21] =	stream.strided.scatter [tilespmem:s31], [sflag:$0x5], $0x400, s22, s21, $0x38;
	[tilespmem:$0x12000] =	vst v63  }
0x17c: {  	s2 =	sadd.s32 $0x1040, s1;
	s31 =	simm.s32 $0x4400  }
0x17d: {  	[hbm4b:s2+s21] =	stream.strided.scatter [tilespmem:s31], [sflag:$0x5], $0x400, s22, s21, $0x38;
	[tilespmem:$0x12000] =	vst v63  }
0x17e: {  	s2 =	sadd.s32 $0x1080, s1;
	s31 =	simm.s32 $0x4800  }
0x17f: {  	[hbm4b:s2+s21] =	stream.strided.scatter [tilespmem:s31], [sflag:$0x5], $0x400, s22, s21, $0x38;
	[tilespmem:$0x12000] =	vst v63  }
0x180: {  	s2 =	sadd.s32 $0x10C0, s1;
	s31 =	simm.s32 $0x4C00  }
0x181: {  	[hbm4b:s2+s21] =	stream.strided.scatter [tilespmem:s31], [sflag:$0x5], $0x400, s22, s21, $0x38;
	[tilespmem:$0x12000] =	vst v63  }
0x182: {  	s2 =	sadd.s32 $0x1100, s1;
	s31 =	simm.s32 $0x5000  }
0x183: {  	[hbm4b:s2+s21] =	stream.strided.scatter [tilespmem:s31], [sflag:$0x5], $0x400, s22, s21, $0x38;
	[tilespmem:$0x12000] =	vst v63  }
0x184: {  	s2 =	sadd.s32 $0x1140, s1;
	s31 =	simm.s32 $0x5400  }
0x185: {  	[hbm4b:s2+s21] =	stream.strided.scatter [tilespmem:s31], [sflag:$0x5], $0x400, s22, s21, $0x38;
	[tilespmem:$0x12000] =	vst v63  }
0x186: {  	s2 =	sadd.s32 $0x1180, s1;
	s31 =	simm.s32 $0x5800  }
0x187: {  	[hbm4b:s2+s21] =	stream.strided.scatter [tilespmem:s31], [sflag:$0x5], $0x400, s22, s21, $0x38;
	[tilespmem:$0x12000] =	vst v63  }
0x188: {  	s2 =	sadd.s32 $0x11C0, s1;
	s31 =	simm.s32 $0x5C00  }
0x189: {  	[hbm4b:s2+s21] =	stream.strided.scatter [tilespmem:s31], [sflag:$0x5], $0x400, s22, s21, $0x38;
	[tilespmem:$0x12000] =	vst v63  }
0x18a: {  	s2 =	simm.s32 $0x2  }
0x18b: {  	_ =	swait.ge [sflag:s2], $0x4000  }
0x18c: {  	[sflag:s2] =	ssyncset.done $0x0  }
0x18d: {  	s31 =	simm.s32 $0x6000;
	s1 =	rddreg [dreg:$0xa];
	[sflag:s2] =	ssyncadd.s32 $0xFFFFC000  }
0x18e: {  	[hbm4b:s1+s21] =	stream.strided.scatter [tilespmem:s31], [sflag:$0x6], $0x400, s22, s21, $0x38;
	[tilespmem:$0x12000] =	vst v63  }
0x18f: {  	s2 =	sadd.s32 $0x40, s1;
	s31 =	simm.s32 $0x6400  }
0x190: {  	[hbm4b:s2+s21] =	stream.strided.scatter [tilespmem:s31], [sflag:$0x6], $0x400, s22, s21, $0x38;
	[tilespmem:$0x12000] =	vst v63  }
0x191: {  	s2 =	sadd.s32 $0x80, s1;
	s31 =	simm.s32 $0x6800  }
0x192: {  	[hbm4b:s2+s21] =	stream.strided.scatter [tilespmem:s31], [sflag:$0x6], $0x400, s22, s21, $0x38;
	[tilespmem:$0x12000] =	vst v63  }
0x193: {  	s2 =	sadd.s32 $0xC0, s1;
	s31 =	simm.s32 $0x6C00  }
0x194: {  	[hbm4b:s2+s21] =	stream.strided.scatter [tilespmem:s31], [sflag:$0x6], $0x400, s22, s21, $0x38;
	[tilespmem:$0x12000] =	vst v63  }
0x195: {  	s2 =	sadd.s32 $0x100, s1;
	s31 =	simm.s32 $0x7000  }
0x196: {  	[hbm4b:s2+s21] =	stream.strided.scatter [tilespmem:s31], [sflag:$0x6], $0x400, s22, s21, $0x38;
	[tilespmem:$0x12000] =	vst v63  }
0x197: {  	s2 =	sadd.s32 $0x140, s1;
	s31 =	simm.s32 $0x7400  }
0x198: {  	[hbm4b:s2+s21] =	stream.strided.scatter [tilespmem:s31], [sflag:$0x6], $0x400, s22, s21, $0x38;
	[tilespmem:$0x12000] =	vst v63  }
0x199: {  	s2 =	sadd.s32 $0x180, s1;
	s31 =	simm.s32 $0x7800  }
0x19a: {  	[hbm4b:s2+s21] =	stream.strided.scatter [tilespmem:s31], [sflag:$0x6], $0x400, s22, s21, $0x38;
	[tilespmem:$0x12000] =	vst v63  }
0x19b: {  	s2 =	sadd.s32 $0x1C0, s1;
	s31 =	simm.s32 $0x7C00  }
0x19c: {  	[hbm4b:s2+s21] =	stream.strided.scatter [tilespmem:s31], [sflag:$0x6], $0x400, s22, s21, $0x38;
	[tilespmem:$0x12000] =	vst v63  }
0x19d: {  	s2 =	sadd.s32 $0x1000, s1;
	s31 =	simm.s32 $0x8000  }
0x19e: {  	[hbm4b:s2+s21] =	stream.strided.scatter [tilespmem:s31], [sflag:$0x6], $0x400, s22, s21, $0x38;
	[tilespmem:$0x12000] =	vst v63  }
0x19f: {  	s2 =	sadd.s32 $0x1040, s1;
	s31 =	simm.s32 $0x8400  }
0x1a0: {  	[hbm4b:s2+s21] =	stream.strided.scatter [tilespmem:s31], [sflag:$0x6], $0x400, s22, s21, $0x38;
	[tilespmem:$0x12000] =	vst v63  }
0x1a1: {  	s2 =	sadd.s32 $0x1080, s1;
	s31 =	simm.s32 $0x8800  }
0x1a2: {  	[hbm4b:s2+s21] =	stream.strided.scatter [tilespmem:s31], [sflag:$0x6], $0x400, s22, s21, $0x38;
	[tilespmem:$0x12000] =	vst v63  }
0x1a3: {  	s2 =	sadd.s32 $0x10C0, s1;
	s31 =	simm.s32 $0x8C00  }
0x1a4: {  	[hbm4b:s2+s21] =	stream.strided.scatter [tilespmem:s31], [sflag:$0x6], $0x400, s22, s21, $0x38;
	[tilespmem:$0x12000] =	vst v63  }
0x1a5: {  	s2 =	sadd.s32 $0x1100, s1;
	s31 =	simm.s32 $0x9000  }
0x1a6: {  	[hbm4b:s2+s21] =	stream.strided.scatter [tilespmem:s31], [sflag:$0x6], $0x400, s22, s21, $0x38;
	[tilespmem:$0x12000] =	vst v63  }
0x1a7: {  	s2 =	sadd.s32 $0x1140, s1;
	s31 =	simm.s32 $0x9400  }
0x1a8: {  	[hbm4b:s2+s21] =	stream.strided.scatter [tilespmem:s31], [sflag:$0x6], $0x400, s22, s21, $0x38;
	[tilespmem:$0x12000] =	vst v63  }
0x1a9: {  	s2 =	sadd.s32 $0x1180, s1;
	s31 =	simm.s32 $0x9800  }
0x1aa: {  	[hbm4b:s2+s21] =	stream.strided.scatter [tilespmem:s31], [sflag:$0x6], $0x400, s22, s21, $0x38;
	[tilespmem:$0x12000] =	vst v63  }
0x1ab: {  	s2 =	sadd.s32 $0x11C0, s1;
	s31 =	simm.s32 $0x9C00;
	s1 =	simm.s32 $0x3  }
0x1ac: {  	[hbm4b:s2+s21] =	stream.strided.scatter [tilespmem:s31], [sflag:$0x6], $0x400, s22, s21, $0x38;
	[tilespmem:$0x12000] =	vst v63  }
0x1ad: {  	_ =	swait.ge [sflag:s1], $0x4000  }
0x1ae: {  	[sflag:s1] =	ssyncset.done $0x0  }
0x1af: {  	[sflag:s1] =	ssyncadd.s32 $0xFFFFC000;
	s1 =	rddreg [dreg:$0xb]  }
0x1b0: {  	[hbm4b:s1+s21] =	stream.strided.scatter [tilespmem:s25], [sflag:$0x7], $0x400, s22, s21, $0x38;
	[tilespmem:$0x12000] =	vst v63  }
0x1b1: {  	s31 =	simm.s32 $0xA400;
	s2 =	sadd.s32 $0x40, s1  }
0x1b2: {  	[hbm4b:s2+s21] =	stream.strided.scatter [tilespmem:s31], [sflag:$0x7], $0x400, s22, s21, $0x38;
	[tilespmem:$0x12000] =	vst v63  }
0x1b3: {  	s31 =	sadd.s32 $0x80, s1  }
0x1b4: {  	[hbm4b:s31+s21] =	stream.strided.scatter [tilespmem:s26], [sflag:$0x7], $0x400, s22, s21, $0x38;
	[tilespmem:$0x12000] =	vst v63  }
0x1b5: {  	s2 =	sadd.s32 $0xC0, s1;
	s31 =	simm.s32 $0xAC00  }
0x1b6: {  	[hbm4b:s2+s21] =	stream.strided.scatter [tilespmem:s31], [sflag:$0x7], $0x400, s22, s21, $0x38;
	[tilespmem:$0x12000] =	vst v63  }
0x1b7: {  	s31 =	sadd.s32 $0x100, s1  }
0x1b8: {  	[hbm4b:s31+s21] =	stream.strided.scatter [tilespmem:s28], [sflag:$0x7], $0x400, s22, s21, $0x38;
	[tilespmem:$0x12000] =	vst v63  }
0x1b9: {  	s2 =	sadd.s32 $0x140, s1;
	s31 =	simm.s32 $0xB400  }
0x1ba: {  	[hbm4b:s2+s21] =	stream.strided.scatter [tilespmem:s31], [sflag:$0x7], $0x400, s22, s21, $0x38;
	[tilespmem:$0x12000] =	vst v63  }
0x1bb: {  	s31 =	sadd.s32 $0x180, s1  }
0x1bc: {  	[hbm4b:s31+s21] =	stream.strided.scatter [tilespmem:s29], [sflag:$0x7], $0x400, s22, s21, $0x38;
	[tilespmem:$0x12000] =	vst v63  }
0x1bd: {  	s2 =	sadd.s32 $0x1C0, s1;
	s31 =	simm.s32 $0xBC00  }
0x1be: {  	[hbm4b:s2+s21] =	stream.strided.scatter [tilespmem:s31], [sflag:$0x7], $0x400, s22, s21, $0x38;
	[tilespmem:$0x12000] =	vst v63  }
0x1bf: {  	s31 =	sadd.s32 $0x1000, s1  }
0x1c0: {  	[hbm4b:s31+s21] =	stream.strided.scatter [tilespmem:s30], [sflag:$0x7], $0x400, s22, s21, $0x38;
	[tilespmem:$0x12000] =	vst v63  }
0x1c1: {  	s2 =	sadd.s32 $0x1040, s1;
	s31 =	simm.s32 $0xC400  }
0x1c2: {  	[hbm4b:s2+s21] =	stream.strided.scatter [tilespmem:s31], [sflag:$0x7], $0x400, s22, s21, $0x38;
	[tilespmem:$0x12000] =	vst v63  }
0x1c3: {  	s31 =	sadd.s32 $0x1080, s1  }
0x1c4: {  	[hbm4b:s31+s21] =	stream.strided.scatter [tilespmem:s4], [sflag:$0x7], $0x400, s22, s21, $0x38;
	[tilespmem:$0x12000] =	vst v63  }
0x1c5: {  	s2 =	sadd.s32 $0x10C0, s1;
	s31 =	simm.s32 $0xCC00  }
0x1c6: {  	[hbm4b:s2+s21] =	stream.strided.scatter [tilespmem:s31], [sflag:$0x7], $0x400, s22, s21, $0x38;
	[tilespmem:$0x12000] =	vst v63  }
0x1c7: {  	s31 =	sadd.s32 $0x1100, s1  }
0x1c8: {  	[hbm4b:s31+s21] =	stream.strided.scatter [tilespmem:s24], [sflag:$0x7], $0x400, s22, s21, $0x38;
	[tilespmem:$0x12000] =	vst v63  }
0x1c9: {  	s2 =	sadd.s32 $0x1140, s1;
	s31 =	simm.s32 $0xD400  }
0x1ca: {  	[hbm4b:s2+s21] =	stream.strided.scatter [tilespmem:s31], [sflag:$0x7], $0x400, s22, s21, $0x38;
	[tilespmem:$0x12000] =	vst v63  }
0x1cb: {  	s31 =	sadd.s32 $0x1180, s1  }
0x1cc: {  	[hbm4b:s31+s21] =	stream.strided.scatter [tilespmem:s23], [sflag:$0x7], $0x400, s22, s21, $0x38;
	[tilespmem:$0x12000] =	vst v63  }
0x1cd: {  	s2 =	sadd.s32 $0x11C0, s1;
	s1 =	simm.s32 $0x4;
	s31 =	simm.s32 $0xDC00  }
0x1ce: {  	[hbm4b:s2+s21] =	stream.strided.scatter [tilespmem:s31], [sflag:$0x7], $0x400, s22, s21, $0x38;
	[tilespmem:$0x12000] =	vst v63  }
0x1cf: {  	_ =	swait.ge [sflag:s1], $0x4000  }
0x1d0: {  	[sflag:s1] =	ssyncset.done $0x0  }
0x1d1: {  	[sflag:s1] =	ssyncadd.s32 $0xFFFFC000;
	s1 =	rddreg [dreg:$0xc]  }
0x1d2: {  	[hbm4b:s1+s21] =	stream.strided.scatter [tilespmem:s14], [sflag:$0x8], $0x400, s22, s21, $0x38;
	[tilespmem:$0x12000] =	vst v63  }
0x1d3: {  	s31 =	simm.s32 $0xE400;
	s2 =	sadd.s32 $0x40, s1  }
0x1d4: {  	[hbm4b:s2+s21] =	stream.strided.scatter [tilespmem:s31], [sflag:$0x8], $0x400, s22, s21, $0x38;
	[tilespmem:$0x12000] =	vst v63  }
0x1d5: {  	s31 =	sadd.s32 $0x80, s1  }
0x1d6: {  	[hbm4b:s31+s21] =	stream.strided.scatter [tilespmem:s20], [sflag:$0x8], $0x400, s22, s21, $0x38;
	[tilespmem:$0x12000] =	vst v63  }
0x1d7: {  	s2 =	sadd.s32 $0xC0, s1;
	s31 =	simm.s32 $0xEC00  }
0x1d8: {  	[hbm4b:s2+s21] =	stream.strided.scatter [tilespmem:s31], [sflag:$0x8], $0x400, s22, s21, $0x38;
	[tilespmem:$0x12000] =	vst v63  }
0x1d9: {  	s31 =	sadd.s32 $0x100, s1  }
0x1da: {  	[hbm4b:s31+s21] =	stream.strided.scatter [tilespmem:s19], [sflag:$0x8], $0x400, s22, s21, $0x38;
	[tilespmem:$0x12000] =	vst v63  }
0x1db: {  	s2 =	sadd.s32 $0x140, s1;
	s31 =	simm.s32 $0xF400  }
0x1dc: {  	[hbm4b:s2+s21] =	stream.strided.scatter [tilespmem:s31], [sflag:$0x8], $0x400, s22, s21, $0x38;
	[tilespmem:$0x12000] =	vst v63  }
0x1dd: {  	s31 =	sadd.s32 $0x180, s1  }
0x1de: {  	[hbm4b:s31+s21] =	stream.strided.scatter [tilespmem:s18], [sflag:$0x8], $0x400, s22, s21, $0x38;
	[tilespmem:$0x12000] =	vst v63  }
0x1df: {  	s2 =	sadd.s32 $0x1C0, s1;
	s31 =	simm.s32 $0xFC00  }
0x1e0: {  	[hbm4b:s2+s21] =	stream.strided.scatter [tilespmem:s31], [sflag:$0x8], $0x400, s22, s21, $0x38;
	[tilespmem:$0x12000] =	vst v63  }
0x1e1: {  	s31 =	sadd.s32 $0x1000, s1  }
0x1e2: {  	[hbm4b:s31+s21] =	stream.strided.scatter [tilespmem:s13], [sflag:$0x8], $0x400, s22, s21, $0x38;
	[tilespmem:$0x12000] =	vst v63  }
0x1e3: {  	s2 =	sadd.s32 $0x1040, s1;
	s31 =	simm.s32 $0x10400  }
0x1e4: {  	[hbm4b:s2+s21] =	stream.strided.scatter [tilespmem:s31], [sflag:$0x8], $0x400, s22, s21, $0x38;
	[tilespmem:$0x12000] =	vst v63  }
0x1e5: {  	s31 =	sadd.s32 $0x1080, s1  }
0x1e6: {  	[hbm4b:s31+s21] =	stream.strided.scatter [tilespmem:s10], [sflag:$0x8], $0x400, s22, s21, $0x38;
	[tilespmem:$0x12000] =	vst v63  }
0x1e7: {  	s2 =	sadd.s32 $0x10C0, s1;
	s31 =	simm.s32 $0x10C00  }
0x1e8: {  	[hbm4b:s2+s21] =	stream.strided.scatter [tilespmem:s31], [sflag:$0x8], $0x400, s22, s21, $0x38;
	[tilespmem:$0x12000] =	vst v63  }
0x1e9: {  	s31 =	sadd.s32 $0x1100, s1  }
0x1ea: {  	[hbm4b:s31+s21] =	stream.strided.scatter [tilespmem:s11], [sflag:$0x8], $0x400, s22, s21, $0x38;
	[tilespmem:$0x12000] =	vst v63  }
0x1eb: {  	s2 =	sadd.s32 $0x1140, s1;
	s31 =	simm.s32 $0x11400  }
0x1ec: {  	[hbm4b:s2+s21] =	stream.strided.scatter [tilespmem:s31], [sflag:$0x8], $0x400, s22, s21, $0x38;
	[tilespmem:$0x12000] =	vst v63  }
0x1ed: {  	s31 =	sadd.s32 $0x1180, s1  }
0x1ee: {  	[hbm4b:s31+s21] =	stream.strided.scatter [tilespmem:s9], [sflag:$0x8], $0x400, s22, s21, $0x38;
	[tilespmem:$0x12000] =	vst v63  }
0x1ef: {  	s2 =	sadd.s32 $0x11C0, s1;
	s1 =	simm.s32 $0x5;
	s31 =	simm.s32 $0x11C00  }
0x1f0: {  	[hbm4b:s2+s21] =	stream.strided.scatter [tilespmem:s31], [sflag:$0x8], $0x400, s22, s21, $0x38;
	[tilespmem:$0x12000] =	vst v63  }
0x1f1: {  	_ =	swait.ge [sflag:s1], $0x4000  }
0x1f2: {  	[sflag:s1] =	ssyncset.done $0x0  }
0x1f3: {  	s2 =	simm.s32 $0x6;
	[sflag:s1] =	ssyncadd.s32 $0xFFFFC000  }
0x1f4: {  	_ =	swait.ge [sflag:s2], $0x4000  }
0x1f5: {  	[sflag:s2] =	ssyncset.done $0x0  }
0x1f6: {  	s31 =	simm.s32 $0x7;
	[sflag:s2] =	ssyncadd.s32 $0xFFFFC000  }
0x1f7: {  	_ =	swait.ge [sflag:s31], $0x4000  }
0x1f8: {  	[sflag:s31] =	ssyncset.done $0x0  }
0x1f9: {  	s2 =	simm.s32 $0x8;
	[sflag:s31] =	ssyncadd.s32 $0xFFFFC000  }
0x1fa: {  	_ =	swait.ge [sflag:s2], $0x4000  }
0x1fb: {  	s0 =	rddreg [dreg:$0xe]  }
0x1fc: {  	s31 =	rddreg [dreg:$0xd];
	s1 =	sadd.s32 $0x1, s0  }
0x1fd: {  	p0 =	sne.s32 s1, s31  }
.Ltmp1:
0x1fe: {  	_ = 	snop;
	(pc) =	sbr.rel @p0 .LBB2_1-.Ltmp1, $3  }
0x1ff: {  	_ =	sdelay $0x1  }
0x200: {  	[sflag:s2] =	ssyncset.done $0x0  }
0x201: {  	[sflag:s2] =	ssyncadd.s32 $0xFFFFC000  }
0x202: {  	_ =	sfence.sel $0x180000  }
0x203: {  	[bflag:$0x0] =	sbarrier.arrive $0xFFFF  }
0x204: {  	_ =	strace $0x90000047  }
0x205: {  	s0 =	stileid.u32;
	[bflag:$0x2] =	sbarrier.arrive $0xFFFF  }
0x206: {  	p0 =	sne.s32 s0, $0x0;
	s0 =	rddreg [dreg:$0x3]  }
0x207: {  	s0 =	sadd.s32 @!p0 $0x100000, s0  }
0x208: {  	[sflag:s0] =	ssyncadd.tile.s32 @!p0 $0x1;
	_ =	shalt  }
.Lfunc_end2:
_tile_overlayer_lowered:
.L_overlay_start_2:
0x209: {  	(tag) =	ssettag $0x2  }
0x20a: {  	s0 =	rddreg [dreg:$0x0];
	s2 =	stileid.u32  }
0x20b: {  	s1 =	rddreg [dreg:$0x1];
	p0 =	sne.s32 s2, $0x0  }
0x20c: {  	s3 =	rddreg [dreg:$0x2];
	[bflag:$0x3] =	sbarrier.arrive $0xFFFF;
	s2 =	simm.s32 @!p0 $0x1C09  }
0x20d: {  	[timem:s3], [sflag:s2] =	dma.local @!p0 [hbm:s0], s1  }
0x20e: {  	s0 =	simm.s32 @!p0 $0x9  }
0x20f: {  	_ =	swait.ge @!p0 [sflag:s0], s1  }
0x210: {  	s1 =	ssub.s32 @!p0 $0x0, s1;
	[sflag:s0] =	ssyncset.done @!p0 $0x0  }
0x211: {  	[sflag:s0] =	ssyncadd.s32 @!p0 s1  }
0x212: {  	[bflag:$0x3] =	sbarrier.arrive $0xFFFF  }
0x213: {  	_ =	shalt  }

</sc_bundles>
